<compile_context>
chip_gen: v7x
topology: tpu7x:2x2x1
jax: 0.10.2.dev20260603
libtpu: 0.0.44.dev20260713+nightly
codegen_flags: <defaults>
</compile_context>

<pallas_src>
import functools

import jax
import jax.numpy as jnp
from jax import lax
from jax.experimental import pallas as pl
from jax.experimental.pallas import tpu as pltpu
from jax.experimental.pallas import tpu_sc as plsc

B = 16384
K = 64
NC = 2
NS = 16
NW = NC * NS
BPW = B // NW
HALF = B // 2


def _issue_row_dmas(t_hbm, idx_v, buf_v, sem):
    iota16 = lax.broadcasted_iota(jnp.int32, (16,), 0)

    def grp(g, carry):
        r_vec = idx_v[pl.ds(g * 16, 16)]
        for j in range(16):
            r = lax.reduce_max(
                jnp.where(iota16 == j, r_vec, 0), (0,))
            pltpu.async_copy(
                t_hbm.at[pl.ds(r, 1), pl.ds(0, K)],
                buf_v.at[pl.ds(g * 16 + j, 1)],
                sem,
            )
        return carry

    lax.fori_loop(0, BPW // 16, grp, 0)


def _sc_gather():
    mesh = plsc.VectorSubcoreMesh(core_axis_name="c", subcore_axis_name="s")

    @functools.partial(
        pl.kernel,
        mesh=mesh,
        out_type=[
            jax.ShapeDtypeStruct((HALF, 2 * K), jnp.float32),
            jax.ShapeDtypeStruct((HALF, 2 * K), jnp.float32),
        ],
        scratch_types=[
            pltpu.VMEM((BPW,), jnp.int32),
            pltpu.VMEM((BPW,), jnp.int32),
            pltpu.VMEM((BPW, K), jnp.float32),
            pltpu.VMEM((BPW, K), jnp.float32),
            pltpu.SemaphoreType.DMA,
            pltpu.SemaphoreType.DMA,
        ],
        compiler_params=pltpu.CompilerParams(
            use_tc_tiling_on_sc=False, needs_layout_passes=False),
    )
    def gather(uidx_hbm, iidx_hbm, ut_hbm, it_hbm, uout_hbm, iout_hbm,
               uidx_v, iidx_v, ubuf_v, ibuf_v, usem, isem):
        wid = lax.axis_index("s") * NC + lax.axis_index("c")
        base = wid * BPW
        pltpu.sync_copy(uidx_hbm.at[pl.ds(base, BPW)], uidx_v)
        pltpu.sync_copy(iidx_hbm.at[pl.ds(base, BPW)], iidx_v)
        _issue_row_dmas(ut_hbm, uidx_v, ubuf_v, usem)
        _issue_row_dmas(it_hbm, iidx_v, ibuf_v, isem)
        pltpu.make_async_copy(
            ut_hbm.at[pl.ds(0, BPW), pl.ds(0, K)], ubuf_v, usem).wait()
        pltpu.make_async_copy(
            it_hbm.at[pl.ds(0, BPW), pl.ds(0, K)], ibuf_v, isem).wait()
        row0 = jnp.bitwise_and(wid, 15) * BPW
        col0 = jnp.right_shift(wid, 4) * K
        pltpu.sync_copy(
            ubuf_v, uout_hbm.at[pl.ds(row0, BPW), pl.ds(col0, K)])
        pltpu.sync_copy(
            ibuf_v, iout_hbm.at[pl.ds(row0, BPW), pl.ds(col0, K)])

    return gather


def _tc_body(ua_ref, ia_ref, u_ref, i_ref, out_ref):
    m = lax.dot_general(ua_ref[...], ia_ref[...],
                        (((1,), (1,)), ((), ())),
                        preferred_element_type=jnp.float32)
    for half in range(2):
        u = u_ref[:, half * K:(half + 1) * K]
        i = i_ref[:, half * K:(half + 1) * K]
        um = jnp.dot(u, m, preferred_element_type=jnp.float32)
        out_ref[half, :] = jnp.sum(um * i, axis=1)


def kernel(user_indices, item_indices, all_user_T, all_user_A, all_item_T, all_item_A):
    uidx = user_indices.astype(jnp.int32)
    iidx = item_indices.astype(jnp.int32)
    u_pack, i_pack = _sc_gather()(uidx, iidx, all_user_T, all_item_T)

    ua = all_user_A[:K]
    ia = all_item_A[:K]
    blk = 1024
    grid = HALF // blk
    halves = pl.pallas_call(
        _tc_body,
        grid=(grid,),
        in_specs=[
            pl.BlockSpec((K, K), lambda g: (0, 0)),
            pl.BlockSpec((K, K), lambda g: (0, 0)),
            pl.BlockSpec((blk, 2 * K), lambda g: (g, 0)),
            pl.BlockSpec((blk, 2 * K), lambda g: (g, 0)),
        ],
        out_specs=pl.BlockSpec((2, blk), lambda g: (0, g)),
        out_shape=jax.ShapeDtypeStruct((2, HALF), jnp.float32),
    )(ua, ia, u_pack, i_pack)
    return halves.reshape(B)

# --- scband reference (transcript-rebuilt; emitter-appended) ---
"""Pipeline reference for scband-dynamic-mfmodel-62148176773141 (READ-ONLY COPY).

The authoritative reference and input builder live on the scoring server;
editing this copy changes nothing except your own understanding.
"""

import jax, jax.numpy as jnp
import numpy as np

N_USERS = 1000000
M_ITEMS = 100000
MAX_USER_ANCHORS = 100
MAX_ITEM_ANCHORS = 100
USER_ANCHORS = 64
ITEM_ANCHORS = 64
LATENT_DIM = 64
BATCH = 16384


def _init_weight(key, n, m):
    limit = np.sqrt(2.0 / n)
    return jnp.abs(limit * jax.random.normal(key, (n, m), dtype=jnp.float32))


def setup_inputs(seed: int = 0) -> dict:
    key = jax.random.key(seed)
    k1, k2, k3, k4, k5, k6 = jax.random.split(key, 6)
    user_indices = jax.random.randint(k1, (BATCH,), 0, N_USERS, dtype=jnp.int64 if jax.config.jax_enable_x64 else jnp.int32)
    item_indices = jax.random.randint(k2, (BATCH,), 0, M_ITEMS, dtype=jnp.int64 if jax.config.jax_enable_x64 else jnp.int32)
    all_user_T = _init_weight(k3, N_USERS, MAX_USER_ANCHORS)
    all_user_A = _init_weight(k4, MAX_USER_ANCHORS, LATENT_DIM)
    all_item_T = _init_weight(k5, M_ITEMS, MAX_ITEM_ANCHORS)
    all_item_A = _init_weight(k6, MAX_ITEM_ANCHORS, LATENT_DIM)
    return {
        "user_indices": user_indices,
        "item_indices": item_indices,
        "all_user_T": all_user_T,
        "all_user_A": all_user_A,
        "all_item_T": all_item_T,
        "all_item_A": all_item_A,
    }


def reference(user_indices, item_indices, all_user_T, all_user_A, all_item_T, all_item_A):
    # Slice active anchor columns/rows (dynamic rank reduction)
    user_T = all_user_T[:, :USER_ANCHORS]
    user_A = all_user_A[:USER_ANCHORS]
    item_T = all_item_T[:, :ITEM_ANCHORS]
    item_A = all_item_A[:ITEM_ANCHORS]
    # Embedding lookup (gather) followed by small dense projection
    user_embedding = jnp.matmul(jnp.take(user_T, user_indices, axis=0), user_A)
    item_embedding = jnp.matmul(jnp.take(item_T, item_indices, axis=0), item_A)
    rating = jnp.einsum('ni,ni->n', user_embedding, item_embedding)
    return rating

if __name__ == "__main__":
    import jax
    _d = setup_inputs()
    print(jax.jit(kernel)(*tuple(_d.values())))

</pallas_src>

<mosaic_0001>
#map = affine_map<(d0, d1) -> (0)>
#map1 = affine_map<(d0, d1) -> (0, 0)>
module attributes {stable_mosaic.version = 14 : i64} {
  func.func @gather(%arg0: i32, %arg1: i32, %arg2: memref<16384xi32, #tpu.memory_space<hbm>>, %arg3: memref<16384xi32, #tpu.memory_space<hbm>>, %arg4: memref<1000000x100xf32, #tpu.memory_space<hbm>>, %arg5: memref<100000x100xf32, #tpu.memory_space<hbm>>, %arg6: memref<8192x128xf32, #tpu.memory_space<hbm>>, %arg7: memref<8192x128xf32, #tpu.memory_space<hbm>>, %arg8: memref<512xi32, #tpu.memory_space<vmem>>, %arg9: memref<512xi32, #tpu.memory_space<vmem>>, %arg10: memref<512x64xf32, #tpu.memory_space<vmem>>, %arg11: memref<512x64xf32, #tpu.memory_space<vmem>>, %arg12: memref<!tpu.dma_semaphore, #tpu.memory_space<semaphore_mem>>, %arg13: memref<!tpu.dma_semaphore, #tpu.memory_space<semaphore_mem>>) attributes {dimension_semantics = [#tpu.dimension_semantics<core_parallel>, #tpu.dimension_semantics<subcore_parallel>], iteration_bounds = array<i64: 2, 16>, scalar_prefetch = 0 : i64, scratch_operands = 6 : i64, tpu.core_type = #tpu.core_type<sc_vector_subcore>, window_params = [{transform_indices = #map}, {transform_indices = #map}, {transform_indices = #map1}, {transform_indices = #map1}, {transform_indices = #map1}, {transform_indices = #map1}]} {
    %mul3A = arith.constant 2 : i32
    %mul3A_0 = arith.muli %arg1, %mul3A : i32
    %add3A = arith.addi %mul3A_0, %arg0 : i32
    %mul3A_1 = arith.constant 512 : i32
    %mul3A_2 = arith.muli %add3A, %mul3A_1 : i32
    "tpu.region"() ({
      %run_scoped3A = tpu.sem_alloc : memref<!tpu.dma_semaphore, #tpu.memory_space<semaphore_mem>>
      %dma_start3A = tpu.memref_slice %arg2[%mul3A_2] : memref<16384xi32, #tpu.memory_space<hbm>> -> memref<512xi32, #tpu.memory_space<hbm>>
      %dma_start3A_32 = tpu.memref_slice %arg2[%mul3A_2] : memref<16384xi32, #tpu.memory_space<hbm>> -> memref<512xi32, #tpu.memory_space<hbm>>
      tpu.enqueue_dma source(%dma_start3A_32 : memref<512xi32, #tpu.memory_space<hbm>>) target(%arg8 : memref<512xi32, #tpu.memory_space<vmem>>) target_semaphore(%run_scoped3A : memref<!tpu.dma_semaphore, #tpu.memory_space<semaphore_mem>>)
      %dma_wait3A_33 = tpu.memref_slice %arg2[%mul3A_2] : memref<16384xi32, #tpu.memory_space<hbm>> -> memref<512xi32, #tpu.memory_space<hbm>>
      %dma_wait3A_34 = tpu.memref_slice %arg2[%mul3A_2] : memref<16384xi32, #tpu.memory_space<hbm>> -> memref<512xi32, #tpu.memory_space<hbm>>
      tpu.wait_dma2 semaphore(%run_scoped3A : memref<!tpu.dma_semaphore, #tpu.memory_space<semaphore_mem>>) src(%dma_wait3A_34 : memref<512xi32, #tpu.memory_space<hbm>>) dst(%arg8 : memref<512xi32, #tpu.memory_space<vmem>>)
      tpu.yield
    }) : () -> ()
    "tpu.region"() ({
      %run_scoped3A = tpu.sem_alloc : memref<!tpu.dma_semaphore, #tpu.memory_space<semaphore_mem>>
      %dma_start3A = tpu.memref_slice %arg3[%mul3A_2] : memref<16384xi32, #tpu.memory_space<hbm>> -> memref<512xi32, #tpu.memory_space<hbm>>
      %dma_start3A_32 = tpu.memref_slice %arg3[%mul3A_2] : memref<16384xi32, #tpu.memory_space<hbm>> -> memref<512xi32, #tpu.memory_space<hbm>>
      tpu.enqueue_dma source(%dma_start3A_32 : memref<512xi32, #tpu.memory_space<hbm>>) target(%arg9 : memref<512xi32, #tpu.memory_space<vmem>>) target_semaphore(%run_scoped3A : memref<!tpu.dma_semaphore, #tpu.memory_space<semaphore_mem>>)
      %dma_wait3A_33 = tpu.memref_slice %arg3[%mul3A_2] : memref<16384xi32, #tpu.memory_space<hbm>> -> memref<512xi32, #tpu.memory_space<hbm>>
      %dma_wait3A_34 = tpu.memref_slice %arg3[%mul3A_2] : memref<16384xi32, #tpu.memory_space<hbm>> -> memref<512xi32, #tpu.memory_space<hbm>>
      tpu.wait_dma2 semaphore(%run_scoped3A : memref<!tpu.dma_semaphore, #tpu.memory_space<semaphore_mem>>) src(%dma_wait3A_34 : memref<512xi32, #tpu.memory_space<hbm>>) dst(%arg9 : memref<512xi32, #tpu.memory_space<vmem>>)
      tpu.yield
    }) : () -> ()
    %iota3A = tpu.iota {dimensions = array<i32: 0>} : vector<16xi32>
    %scan3A = arith.constant 0 : i32
    %scan3A_3 = arith.constant 0 : i32
    %scan3A_4 = arith.constant 32 : i32
    %scan3A_5 = arith.addi %scan3A_3, %scan3A_4 : i32
    %scan3A_6 = arith.constant 1 : i32
    scf.for %scan3A_32 = %scan3A_3 to %scan3A_5 step %scan3A_6  : i32 {
      %mul3A_33 = arith.constant 16 : i32
      %mul3A_34 = arith.muli %scan3A_32, %mul3A_33 : i32
      %get3A = arith.index_cast %mul3A_34 : i32 to index
      %get3A_35 = tpu.vector_load %arg8[%get3A] {strides = array<i32>} : memref<512xi32, #tpu.memory_space<vmem>>, vector<16xi32>,
      %eq3A = arith.constant 0 : i32
      %eq3A_36 = vector.broadcast %eq3A : i32 to vector<16xi32>
      %eq3A_37 = arith.cmpi eq, %iota3A, %eq3A_36 : vector<16xi32>
      %jit3A = arith.constant 0 : i32
      %broadcast_in_dim3A = vector.broadcast %jit3A : i32 to vector<16xi32>
      %select_n3A = arith.select %eq3A_37, %get3A_35, %broadcast_in_dim3A : vector<16xi1>, vector<16xi32>
      %reduce_max3A = arith.constant true
      %reduce_max3A_38 = vector.broadcast %reduce_max3A : i1 to vector<16xi1>
      %reduce_max3A_39 = arith.constant -2147483648 : i32
      %reduce_max3A_40 = vector.broadcast %reduce_max3A_39 : i32 to vector<16xi32>
      %reduce_max3A_41 = arith.xori %select_n3A, %reduce_max3A_40 : vector<16xi32>
      %reduce_max3A_42 = tpu.scan <max>, %reduce_max3A_41 masked %reduce_max3A_38 : vector<16xi32>, vector<16xi1> -> vector<16xi32>
      %reduce_max3A_43 = arith.xori %reduce_max3A_42, %reduce_max3A_40 : vector<16xi32>
      %reduce_max3A_44 = vector.extract %reduce_max3A_43[15] : i32 from vector<16xi32>
      %mul3A_45 = arith.constant 16 : i32
      %mul3A_46 = arith.muli %scan3A_32, %mul3A_45 : i32
      %add3A_47 = arith.constant 0 : i32
      %add3A_48 = arith.addi %mul3A_46, %add3A_47 : i32
      %dma_start3A = arith.constant 0 : i32
      %dma_start3A_49 = tpu.memref_slice %arg10[%add3A_48, %dma_start3A] : memref<512x64xf32, #tpu.memory_space<vmem>> -> memref<1x64xf32, #tpu.memory_space<vmem>>
      %dma_start3A_50 = arith.constant 0 : i32
      %dma_start3A_51 = tpu.memref_slice %arg4[%reduce_max3A_44, %dma_start3A_50] : memref<1000000x100xf32, #tpu.memory_space<hbm>> -> memref<1x64xf32, #tpu.memory_space<hbm>>
      %dma_start3A_52 = arith.constant 0 : i32
      %dma_start3A_53 = tpu.memref_slice %arg10[%add3A_48, %dma_start3A_52] : memref<512x64xf32, #tpu.memory_space<vmem>> -> memref<1x64xf32, #tpu.memory_space<vmem>>
      %dma_start3A_54 = arith.constant 0 : i32
      %dma_start3A_55 = tpu.memref_slice %arg4[%reduce_max3A_44, %dma_start3A_54] : memref<1000000x100xf32, #tpu.memory_space<hbm>> -> memref<1x64xf32, #tpu.memory_space<hbm>>
      tpu.enqueue_dma source(%dma_start3A_55 : memref<1x64xf32, #tpu.memory_space<hbm>>) target(%dma_start3A_53 : memref<1x64xf32, #tpu.memory_space<vmem>>) target_semaphore(%arg12 : memref<!tpu.dma_semaphore, #tpu.memory_space<semaphore_mem>>)
      %eq3A_56 = arith.constant 1 : i32
      %eq3A_57 = vector.broadcast %eq3A_56 : i32 to vector<16xi32>
      %eq3A_58 = arith.cmpi eq, %iota3A, %eq3A_57 : vector<16xi32>
      %jit3A_59 = arith.constant 0 : i32
      %broadcast_in_dim3A_60 = vector.broadcast %jit3A_59 : i32 to vector<16xi32>
      %select_n3A_61 = arith.select %eq3A_58, %get3A_35, %broadcast_in_dim3A_60 : vector<16xi1>, vector<16xi32>
      %reduce_max3A_62 = arith.constant true
      %reduce_max3A_63 = vector.broadcast %reduce_max3A_62 : i1 to vector<16xi1>
      %reduce_max3A_64 = arith.constant -2147483648 : i32
      %reduce_max3A_65 = vector.broadcast %reduce_max3A_64 : i32 to vector<16xi32>
      %reduce_max3A_66 = arith.xori %select_n3A_61, %reduce_max3A_65 : vector<16xi32>
      %reduce_max3A_67 = tpu.scan <max>, %reduce_max3A_66 masked %reduce_max3A_63 : vector<16xi32>, vector<16xi1> -> vector<16xi32>
      %reduce_max3A_68 = arith.xori %reduce_max3A_67, %reduce_max3A_65 : vector<16xi32>
      %reduce_max3A_69 = vector.extract %reduce_max3A_68[15] : i32 from vector<16xi32>
      %mul3A_70 = arith.constant 16 : i32
      %mul3A_71 = arith.muli %scan3A_32, %mul3A_70 : i32
      %add3A_72 = arith.constant 1 : i32
      %add3A_73 = arith.addi %mul3A_71, %add3A_72 : i32
      %dma_start3A_74 = arith.constant 0 : i32
      %dma_start3A_75 = tpu.memref_slice %arg10[%add3A_73, %dma_start3A_74] : memref<512x64xf32, #tpu.memory_space<vmem>> -> memref<1x64xf32, #tpu.memory_space<vmem>>
      %dma_start3A_76 = arith.constant 0 : i32
      %dma_start3A_77 = tpu.memref_slice %arg4[%reduce_max3A_69, %dma_start3A_76] : memref<1000000x100xf32, #tpu.memory_space<hbm>> -> memref<1x64xf32, #tpu.memory_space<hbm>>
      %dma_start3A_78 = arith.constant 0 : i32
      %dma_start3A_79 = tpu.memref_slice %arg10[%add3A_73, %dma_start3A_78] : memref<512x64xf32, #tpu.memory_space<vmem>> -> memref<1x64xf32, #tpu.memory_space<vmem>>
      %dma_start3A_80 = arith.constant 0 : i32
      %dma_start3A_81 = tpu.memref_slice %arg4[%reduce_max3A_69, %dma_start3A_80] : memref<1000000x100xf32, #tpu.memory_space<hbm>> -> memref<1x64xf32, #tpu.memory_space<hbm>>
      tpu.enqueue_dma source(%dma_start3A_81 : memref<1x64xf32, #tpu.memory_space<hbm>>) target(%dma_start3A_79 : memref<1x64xf32, #tpu.memory_space<vmem>>) target_semaphore(%arg12 : memref<!tpu.dma_semaphore, #tpu.memory_space<semaphore_mem>>)
      %eq3A_82 = arith.constant 2 : i32
      %eq3A_83 = vector.broadcast %eq3A_82 : i32 to vector<16xi32>
      %eq3A_84 = arith.cmpi eq, %iota3A, %eq3A_83 : vector<16xi32>
      %jit3A_85 = arith.constant 0 : i32
      %broadcast_in_dim3A_86 = vector.broadcast %jit3A_85 : i32 to vector<16xi32>
      %select_n3A_87 = arith.select %eq3A_84, %get3A_35, %broadcast_in_dim3A_86 : vector<16xi1>, vector<16xi32>
      %reduce_max3A_88 = arith.constant true
      %reduce_max3A_89 = vector.broadcast %reduce_max3A_88 : i1 to vector<16xi1>
      %reduce_max3A_90 = arith.constant -2147483648 : i32
      %reduce_max3A_91 = vector.broadcast %reduce_max3A_90 : i32 to vector<16xi32>
      %reduce_max3A_92 = arith.xori %select_n3A_87, %reduce_max3A_91 : vector<16xi32>
      %reduce_max3A_93 = tpu.scan <max>, %reduce_max3A_92 masked %reduce_max3A_89 : vector<16xi32>, vector<16xi1> -> vector<16xi32>
      %reduce_max3A_94 = arith.xori %reduce_max3A_93, %reduce_max3A_91 : vector<16xi32>
      %reduce_max3A_95 = vector.extract %reduce_max3A_94[15] : i32 from vector<16xi32>
      %mul3A_96 = arith.constant 16 : i32
      %mul3A_97 = arith.muli %scan3A_32, %mul3A_96 : i32
      %add3A_98 = arith.constant 2 : i32
      %add3A_99 = arith.addi %mul3A_97, %add3A_98 : i32
      %dma_start3A_100 = arith.constant 0 : i32
      %dma_start3A_101 = tpu.memref_slice %arg10[%add3A_99, %dma_start3A_100] : memref<512x64xf32, #tpu.memory_space<vmem>> -> memref<1x64xf32, #tpu.memory_space<vmem>>
      %dma_start3A_102 = arith.constant 0 : i32
      %dma_start3A_103 = tpu.memref_slice %arg4[%reduce_max3A_95, %dma_start3A_102] : memref<1000000x100xf32, #tpu.memory_space<hbm>> -> memref<1x64xf32, #tpu.memory_space<hbm>>
      %dma_start3A_104 = arith.constant 0 : i32
      %dma_start3A_105 = tpu.memref_slice %arg10[%add3A_99, %dma_start3A_104] : memref<512x64xf32, #tpu.memory_space<vmem>> -> memref<1x64xf32, #tpu.memory_space<vmem>>
      %dma_start3A_106 = arith.constant 0 : i32
      %dma_start3A_107 = tpu.memref_slice %arg4[%reduce_max3A_95, %dma_start3A_106] : memref<1000000x100xf32, #tpu.memory_space<hbm>> -> memref<1x64xf32, #tpu.memory_space<hbm>>
      tpu.enqueue_dma source(%dma_start3A_107 : memref<1x64xf32, #tpu.memory_space<hbm>>) target(%dma_start3A_105 : memref<1x64xf32, #tpu.memory_space<vmem>>) target_semaphore(%arg12 : memref<!tpu.dma_semaphore, #tpu.memory_space<semaphore_mem>>)
      %eq3A_108 = arith.constant 3 : i32
      %eq3A_109 = vector.broadcast %eq3A_108 : i32 to vector<16xi32>
      %eq3A_110 = arith.cmpi eq, %iota3A, %eq3A_109 : vector<16xi32>
      %jit3A_111 = arith.constant 0 : i32
      %broadcast_in_dim3A_112 = vector.broadcast %jit3A_111 : i32 to vector<16xi32>
      %select_n3A_113 = arith.select %eq3A_110, %get3A_35, %broadcast_in_dim3A_112 : vector<16xi1>, vector<16xi32>
      %reduce_max3A_114 = arith.constant true
      %reduce_max3A_115 = vector.broadcast %reduce_max3A_114 : i1 to vector<16xi1>
      %reduce_max3A_116 = arith.constant -2147483648 : i32
      %reduce_max3A_117 = vector.broadcast %reduce_max3A_116 : i32 to vector<16xi32>
      %reduce_max3A_118 = arith.xori %select_n3A_113, %reduce_max3A_117 : vector<16xi32>
      %reduce_max3A_119 = tpu.scan <max>, %reduce_max3A_118 masked %reduce_max3A_115 : vector<16xi32>, vector<16xi1> -> vector<16xi32>
      %reduce_max3A_120 = arith.xori %reduce_max3A_119, %reduce_max3A_117 : vector<16xi32>
      %reduce_max3A_121 = vector.extract %reduce_max3A_120[15] : i32 from vector<16xi32>
      %mul3A_122 = arith.constant 16 : i32
      %mul3A_123 = arith.muli %scan3A_32, %mul3A_122 : i32
      %add3A_124 = arith.constant 3 : i32
      %add3A_125 = arith.addi %mul3A_123, %add3A_124 : i32
      %dma_start3A_126 = arith.constant 0 : i32
      %dma_start3A_127 = tpu.memref_slice %arg10[%add3A_125, %dma_start3A_126] : memref<512x64xf32, #tpu.memory_space<vmem>> -> memref<1x64xf32, #tpu.memory_space<vmem>>
      %dma_start3A_128 = arith.constant 0 : i32
      %dma_start3A_129 = tpu.memref_slice %arg4[%reduce_max3A_121, %dma_start3A_128] : memref<1000000x100xf32, #tpu.memory_space<hbm>> -> memref<1x64xf32, #tpu.memory_space<hbm>>
      %dma_start3A_130 = arith.constant 0 : i32
      %dma_start3A_131 = tpu.memref_slice %arg10[%add3A_125, %dma_start3A_130] : memref<512x64xf32, #tpu.memory_space<vmem>> -> memref<1x64xf32, #tpu.memory_space<vmem>>
      %dma_start3A_132 = arith.constant 0 : i32
      %dma_start3A_133 = tpu.memref_slice %arg4[%reduce_max3A_121, %dma_start3A_132] : memref<1000000x100xf32, #tpu.memory_space<hbm>> -> memref<1x64xf32, #tpu.memory_space<hbm>>
      tpu.enqueue_dma source(%dma_start3A_133 : memref<1x64xf32, #tpu.memory_space<hbm>>) target(%dma_start3A_131 : memref<1x64xf32, #tpu.memory_space<vmem>>) target_semaphore(%arg12 : memref<!tpu.dma_semaphore, #tpu.memory_space<semaphore_mem>>)
      %eq3A_134 = arith.constant 4 : i32
      %eq3A_135 = vector.broadcast %eq3A_134 : i32 to vector<16xi32>
      %eq3A_136 = arith.cmpi eq, %iota3A, %eq3A_135 : vector<16xi32>
      %jit3A_137 = arith.constant 0 : i32
      %broadcast_in_dim3A_138 = vector.broadcast %jit3A_137 : i32 to vector<16xi32>
      %select_n3A_139 = arith.select %eq3A_136, %get3A_35, %broadcast_in_dim3A_138 : vector<16xi1>, vector<16xi32>
      %reduce_max3A_140 = arith.constant true
      %reduce_max3A_141 = vector.broadcast %reduce_max3A_140 : i1 to vector<16xi1>
      %reduce_max3A_142 = arith.constant -2147483648 : i32
      %reduce_max3A_143 = vector.broadcast %reduce_max3A_142 : i32 to vector<16xi32>
      %reduce_max3A_144 = arith.xori %select_n3A_139, %reduce_max3A_143 : vector<16xi32>
      %reduce_max3A_145 = tpu.scan <max>, %reduce_max3A_144 masked %reduce_max3A_141 : vector<16xi32>, vector<16xi1> -> vector<16xi32>
      %reduce_max3A_146 = arith.xori %reduce_max3A_145, %reduce_max3A_143 : vector<16xi32>
      %reduce_max3A_147 = vector.extract %reduce_max3A_146[15] : i32 from vector<16xi32>
      %mul3A_148 = arith.constant 16 : i32
      %mul3A_149 = arith.muli %scan3A_32, %mul3A_148 : i32
      %add3A_150 = arith.constant 4 : i32
      %add3A_151 = arith.addi %mul3A_149, %add3A_150 : i32
      %dma_start3A_152 = arith.constant 0 : i32
      %dma_start3A_153 = tpu.memref_slice %arg10[%add3A_151, %dma_start3A_152] : memref<512x64xf32, #tpu.memory_space<vmem>> -> memref<1x64xf32, #tpu.memory_space<vmem>>
      %dma_start3A_154 = arith.constant 0 : i32
      %dma_start3A_155 = tpu.memref_slice %arg4[%reduce_max3A_147, %dma_start3A_154] : memref<1000000x100xf32, #tpu.memory_space<hbm>> -> memref<1x64xf32, #tpu.memory_space<hbm>>
      %dma_start3A_156 = arith.constant 0 : i32
      %dma_start3A_157 = tpu.memref_slice %arg10[%add3A_151, %dma_start3A_156] : memref<512x64xf32, #tpu.memory_space<vmem>> -> memref<1x64xf32, #tpu.memory_space<vmem>>
      %dma_start3A_158 = arith.constant 0 : i32
      %dma_start3A_159 = tpu.memref_slice %arg4[%reduce_max3A_147, %dma_start3A_158] : memref<1000000x100xf32, #tpu.memory_space<hbm>> -> memref<1x64xf32, #tpu.memory_space<hbm>>
      tpu.enqueue_dma source(%dma_start3A_159 : memref<1x64xf32, #tpu.memory_space<hbm>>) target(%dma_start3A_157 : memref<1x64xf32, #tpu.memory_space<vmem>>) target_semaphore(%arg12 : memref<!tpu.dma_semaphore, #tpu.memory_space<semaphore_mem>>)
      %eq3A_160 = arith.constant 5 : i32
      %eq3A_161 = vector.broadcast %eq3A_160 : i32 to vector<16xi32>
      %eq3A_162 = arith.cmpi eq, %iota3A, %eq3A_161 : vector<16xi32>
      %jit3A_163 = arith.constant 0 : i32
      %broadcast_in_dim3A_164 = vector.broadcast %jit3A_163 : i32 to vector<16xi32>
      %select_n3A_165 = arith.select %eq3A_162, %get3A_35, %broadcast_in_dim3A_164 : vector<16xi1>, vector<16xi32>
      %reduce_max3A_166 = arith.constant true
      %reduce_max3A_167 = vector.broadcast %reduce_max3A_166 : i1 to vector<16xi1>
      %reduce_max3A_168 = arith.constant -2147483648 : i32
      %reduce_max3A_169 = vector.broadcast %reduce_max3A_168 : i32 to vector<16xi32>
      %reduce_max3A_170 = arith.xori %select_n3A_165, %reduce_max3A_169 : vector<16xi32>
      %reduce_max3A_171 = tpu.scan <max>, %reduce_max3A_170 masked %reduce_max3A_167 : vector<16xi32>, vector<16xi1> -> vector<16xi32>
      %reduce_max3A_172 = arith.xori %reduce_max3A_171, %reduce_max3A_169 : vector<16xi32>
      %reduce_max3A_173 = vector.extract %reduce_max3A_172[15] : i32 from vector<16xi32>
      %mul3A_174 = arith.constant 16 : i32
      %mul3A_175 = arith.muli %scan3A_32, %mul3A_174 : i32
      %add3A_176 = arith.constant 5 : i32
      %add3A_177 = arith.addi %mul3A_175, %add3A_176 : i32
      %dma_start3A_178 = arith.constant 0 : i32
      %dma_start3A_179 = tpu.memref_slice %arg10[%add3A_177, %dma_start3A_178] : memref<512x64xf32, #tpu.memory_space<vmem>> -> memref<1x64xf32, #tpu.memory_space<vmem>>
      %dma_start3A_180 = arith.constant 0 : i32
      %dma_start3A_181 = tpu.memref_slice %arg4[%reduce_max3A_173, %dma_start3A_180] : memref<1000000x100xf32, #tpu.memory_space<hbm>> -> memref<1x64xf32, #tpu.memory_space<hbm>>
      %dma_start3A_182 = arith.constant 0 : i32
      %dma_start3A_183 = tpu.memref_slice %arg10[%add3A_177, %dma_start3A_182] : memref<512x64xf32, #tpu.memory_space<vmem>> -> memref<1x64xf32, #tpu.memory_space<vmem>>
      %dma_start3A_184 = arith.constant 0 : i32
      %dma_start3A_185 = tpu.memref_slice %arg4[%reduce_max3A_173, %dma_start3A_184] : memref<1000000x100xf32, #tpu.memory_space<hbm>> -> memref<1x64xf32, #tpu.memory_space<hbm>>
      tpu.enqueue_dma source(%dma_start3A_185 : memref<1x64xf32, #tpu.memory_space<hbm>>) target(%dma_start3A_183 : memref<1x64xf32, #tpu.memory_space<vmem>>) target_semaphore(%arg12 : memref<!tpu.dma_semaphore, #tpu.memory_space<semaphore_mem>>)
      %eq3A_186 = arith.constant 6 : i32
      %eq3A_187 = vector.broadcast %eq3A_186 : i32 to vector<16xi32>
      %eq3A_188 = arith.cmpi eq, %iota3A, %eq3A_187 : vector<16xi32>
      %jit3A_189 = arith.constant 0 : i32
      %broadcast_in_dim3A_190 = vector.broadcast %jit3A_189 : i32 to vector<16xi32>
      %select_n3A_191 = arith.select %eq3A_188, %get3A_35, %broadcast_in_dim3A_190 : vector<16xi1>, vector<16xi32>
      %reduce_max3A_192 = arith.constant true
      %reduce_max3A_193 = vector.broadcast %reduce_max3A_192 : i1 to vector<16xi1>
      %reduce_max3A_194 = arith.constant -2147483648 : i32
      %reduce_max3A_195 = vector.broadcast %reduce_max3A_194 : i32 to vector<16xi32>
      %reduce_max3A_196 = arith.xori %select_n3A_191, %reduce_max3A_195 : vector<16xi32>
      %reduce_max3A_197 = tpu.scan <max>, %reduce_max3A_196 masked %reduce_max3A_193 : vector<16xi32>, vector<16xi1> -> vector<16xi32>
      %reduce_max3A_198 = arith.xori %reduce_max3A_197, %reduce_max3A_195 : vector<16xi32>
      %reduce_max3A_199 = vector.extract %reduce_max3A_198[15] : i32 from vector<16xi32>
      %mul3A_200 = arith.constant 16 : i32
      %mul3A_201 = arith.muli %scan3A_32, %mul3A_200 : i32
      %add3A_202 = arith.constant 6 : i32
      %add3A_203 = arith.addi %mul3A_201, %add3A_202 : i32
      %dma_start3A_204 = arith.constant 0 : i32
      %dma_start3A_205 = tpu.memref_slice %arg10[%add3A_203, %dma_start3A_204] : memref<512x64xf32, #tpu.memory_space<vmem>> -> memref<1x64xf32, #tpu.memory_space<vmem>>
      %dma_start3A_206 = arith.constant 0 : i32
      %dma_start3A_207 = tpu.memref_slice %arg4[%reduce_max3A_199, %dma_start3A_206] : memref<1000000x100xf32, #tpu.memory_space<hbm>> -> memref<1x64xf32, #tpu.memory_space<hbm>>
      %dma_start3A_208 = arith.constant 0 : i32
      %dma_start3A_209 = tpu.memref_slice %arg10[%add3A_203, %dma_start3A_208] : memref<512x64xf32, #tpu.memory_space<vmem>> -> memref<1x64xf32, #tpu.memory_space<vmem>>
      %dma_start3A_210 = arith.constant 0 : i32
      %dma_start3A_211 = tpu.memref_slice %arg4[%reduce_max3A_199, %dma_start3A_210] : memref<1000000x100xf32, #tpu.memory_space<hbm>> -> memref<1x64xf32, #tpu.memory_space<hbm>>
      tpu.enqueue_dma source(%dma_start3A_211 : memref<1x64xf32, #tpu.memory_space<hbm>>) target(%dma_start3A_209 : memref<1x64xf32, #tpu.memory_space<vmem>>) target_semaphore(%arg12 : memref<!tpu.dma_semaphore, #tpu.memory_space<semaphore_mem>>)
      %eq3A_212 = arith.constant 7 : i32
      %eq3A_213 = vector.broadcast %eq3A_212 : i32 to vector<16xi32>
      %eq3A_214 = arith.cmpi eq, %iota3A, %eq3A_213 : vector<16xi32>
      %jit3A_215 = arith.constant 0 : i32
      %broadcast_in_dim3A_216 = vector.broadcast %jit3A_215 : i32 to vector<16xi32>
      %select_n3A_217 = arith.select %eq3A_214, %get3A_35, %broadcast_in_dim3A_216 : vector<16xi1>, vector<16xi32>
      %reduce_max3A_218 = arith.constant true
      %reduce_max3A_219 = vector.broadcast %reduce_max3A_218 : i1 to vector<16xi1>
      %reduce_max3A_220 = arith.constant -2147483648 : i32
      %reduce_max3A_221 = vector.broadcast %reduce_max3A_220 : i32 to vector<16xi32>
      %reduce_max3A_222 = arith.xori %select_n3A_217, %reduce_max3A_221 : vector<16xi32>
      %reduce_max3A_223 = tpu.scan <max>, %reduce_max3A_222 masked %reduce_max3A_219 : vector<16xi32>, vector<16xi1> -> vector<16xi32>
      %reduce_max3A_224 = arith.xori %reduce_max3A_223, %reduce_max3A_221 : vector<16xi32>
      %reduce_max3A_225 = vector.extract %reduce_max3A_224[15] : i32 from vector<16xi32>
      %mul3A_226 = arith.constant 16 : i32
      %mul3A_227 = arith.muli %scan3A_32, %mul3A_226 : i32
      %add3A_228 = arith.constant 7 : i32
      %add3A_229 = arith.addi %mul3A_227, %add3A_228 : i32
      %dma_start3A_230 = arith.constant 0 : i32
      %dma_start3A_231 = tpu.memref_slice %arg10[%add3A_229, %dma_start3A_230] : memref<512x64xf32, #tpu.memory_space<vmem>> -> memref<1x64xf32, #tpu.memory_space<vmem>>
      %dma_start3A_232 = arith.constant 0 : i32
      %dma_start3A_233 = tpu.memref_slice %arg4[%reduce_max3A_225, %dma_start3A_232] : memref<1000000x100xf32, #tpu.memory_space<hbm>> -> memref<1x64xf32, #tpu.memory_space<hbm>>
      %dma_start3A_234 = arith.constant 0 : i32
      %dma_start3A_235 = tpu.memref_slice %arg10[%add3A_229, %dma_start3A_234] : memref<512x64xf32, #tpu.memory_space<vmem>> -> memref<1x64xf32, #tpu.memory_space<vmem>>
      %dma_start3A_236 = arith.constant 0 : i32
      %dma_start3A_237 = tpu.memref_slice %arg4[%reduce_max3A_225, %dma_start3A_236] : memref<1000000x100xf32, #tpu.memory_space<hbm>> -> memref<1x64xf32, #tpu.memory_space<hbm>>
      tpu.enqueue_dma source(%dma_start3A_237 : memref<1x64xf32, #tpu.memory_space<hbm>>) target(%dma_start3A_235 : memref<1x64xf32, #tpu.memory_space<vmem>>) target_semaphore(%arg12 : memref<!tpu.dma_semaphore, #tpu.memory_space<semaphore_mem>>)
      %eq3A_238 = arith.constant 8 : i32
      %eq3A_239 = vector.broadcast %eq3A_238 : i32 to vector<16xi32>
      %eq3A_240 = arith.cmpi eq, %iota3A, %eq3A_239 : vector<16xi32>
      %jit3A_241 = arith.constant 0 : i32
      %broadcast_in_dim3A_242 = vector.broadcast %jit3A_241 : i32 to vector<16xi32>
      %select_n3A_243 = arith.select %eq3A_240, %get3A_35, %broadcast_in_dim3A_242 : vector<16xi1>, vector<16xi32>
      %reduce_max3A_244 = arith.constant true
      %reduce_max3A_245 = vector.broadcast %reduce_max3A_244 : i1 to vector<16xi1>
      %reduce_max3A_246 = arith.constant -2147483648 : i32
      %reduce_max3A_247 = vector.broadcast %reduce_max3A_246 : i32 to vector<16xi32>
      %reduce_max3A_248 = arith.xori %select_n3A_243, %reduce_max3A_247 : vector<16xi32>
      %reduce_max3A_249 = tpu.scan <max>, %reduce_max3A_248 masked %reduce_max3A_245 : vector<16xi32>, vector<16xi1> -> vector<16xi32>
      %reduce_max3A_250 = arith.xori %reduce_max3A_249, %reduce_max3A_247 : vector<16xi32>
      %reduce_max3A_251 = vector.extract %reduce_max3A_250[15] : i32 from vector<16xi32>
      %mul3A_252 = arith.constant 16 : i32
      %mul3A_253 = arith.muli %scan3A_32, %mul3A_252 : i32
      %add3A_254 = arith.constant 8 : i32
      %add3A_255 = arith.addi %mul3A_253, %add3A_254 : i32
      %dma_start3A_256 = arith.constant 0 : i32
      %dma_start3A_257 = tpu.memref_slice %arg10[%add3A_255, %dma_start3A_256] : memref<512x64xf32, #tpu.memory_space<vmem>> -> memref<1x64xf32, #tpu.memory_space<vmem>>
      %dma_start3A_258 = arith.constant 0 : i32
      %dma_start3A_259 = tpu.memref_slice %arg4[%reduce_max3A_251, %dma_start3A_258] : memref<1000000x100xf32, #tpu.memory_space<hbm>> -> memref<1x64xf32, #tpu.memory_space<hbm>>
      %dma_start3A_260 = arith.constant 0 : i32
      %dma_start3A_261 = tpu.memref_slice %arg10[%add3A_255, %dma_start3A_260] : memref<512x64xf32, #tpu.memory_space<vmem>> -> memref<1x64xf32, #tpu.memory_space<vmem>>
      %dma_start3A_262 = arith.constant 0 : i32
      %dma_start3A_263 = tpu.memref_slice %arg4[%reduce_max3A_251, %dma_start3A_262] : memref<1000000x100xf32, #tpu.memory_space<hbm>> -> memref<1x64xf32, #tpu.memory_space<hbm>>
      tpu.enqueue_dma source(%dma_start3A_263 : memref<1x64xf32, #tpu.memory_space<hbm>>) target(%dma_start3A_261 : memref<1x64xf32, #tpu.memory_space<vmem>>) target_semaphore(%arg12 : memref<!tpu.dma_semaphore, #tpu.memory_space<semaphore_mem>>)
      %eq3A_264 = arith.constant 9 : i32
      %eq3A_265 = vector.broadcast %eq3A_264 : i32 to vector<16xi32>
      %eq3A_266 = arith.cmpi eq, %iota3A, %eq3A_265 : vector<16xi32>
      %jit3A_267 = arith.constant 0 : i32
      %broadcast_in_dim3A_268 = vector.broadcast %jit3A_267 : i32 to vector<16xi32>
      %select_n3A_269 = arith.select %eq3A_266, %get3A_35, %broadcast_in_dim3A_268 : vector<16xi1>, vector<16xi32>
      %reduce_max3A_270 = arith.constant true
      %reduce_max3A_271 = vector.broadcast %reduce_max3A_270 : i1 to vector<16xi1>
      %reduce_max3A_272 = arith.constant -2147483648 : i32
      %reduce_max3A_273 = vector.broadcast %reduce_max3A_272 : i32 to vector<16xi32>
      %reduce_max3A_274 = arith.xori %select_n3A_269, %reduce_max3A_273 : vector<16xi32>
      %reduce_max3A_275 = tpu.scan <max>, %reduce_max3A_274 masked %reduce_max3A_271 : vector<16xi32>, vector<16xi1> -> vector<16xi32>
      %reduce_max3A_276 = arith.xori %reduce_max3A_275, %reduce_max3A_273 : vector<16xi32>
      %reduce_max3A_277 = vector.extract %reduce_max3A_276[15] : i32 from vector<16xi32>
      %mul3A_278 = arith.constant 16 : i32
      %mul3A_279 = arith.muli %scan3A_32, %mul3A_278 : i32
      %add3A_280 = arith.constant 9 : i32
      %add3A_281 = arith.addi %mul3A_279, %add3A_280 : i32
      %dma_start3A_282 = arith.constant 0 : i32
      %dma_start3A_283 = tpu.memref_slice %arg10[%add3A_281, %dma_start3A_282] : memref<512x64xf32, #tpu.memory_space<vmem>> -> memref<1x64xf32, #tpu.memory_space<vmem>>
      %dma_start3A_284 = arith.constant 0 : i32
      %dma_start3A_285 = tpu.memref_slice %arg4[%reduce_max3A_277, %dma_start3A_284] : memref<1000000x100xf32, #tpu.memory_space<hbm>> -> memref<1x64xf32, #tpu.memory_space<hbm>>
      %dma_start3A_286 = arith.constant 0 : i32
      %dma_start3A_287 = tpu.memref_slice %arg10[%add3A_281, %dma_start3A_286] : memref<512x64xf32, #tpu.memory_space<vmem>> -> memref<1x64xf32, #tpu.memory_space<vmem>>
      %dma_start3A_288 = arith.constant 0 : i32
      %dma_start3A_289 = tpu.memref_slice %arg4[%reduce_max3A_277, %dma_start3A_288] : memref<1000000x100xf32, #tpu.memory_space<hbm>> -> memref<1x64xf32, #tpu.memory_space<hbm>>
      tpu.enqueue_dma source(%dma_start3A_289 : memref<1x64xf32, #tpu.memory_space<hbm>>) target(%dma_start3A_287 : memref<1x64xf32, #tpu.memory_space<vmem>>) target_semaphore(%arg12 : memref<!tpu.dma_semaphore, #tpu.memory_space<semaphore_mem>>)
      %eq3A_290 = arith.constant 10 : i32
      %eq3A_291 = vector.broadcast %eq3A_290 : i32 to vector<16xi32>
      %eq3A_292 = arith.cmpi eq, %iota3A, %eq3A_291 : vector<16xi32>
      %jit3A_293 = arith.constant 0 : i32
      %broadcast_in_dim3A_294 = vector.broadcast %jit3A_293 : i32 to vector<16xi32>
      %select_n3A_295 = arith.select %eq3A_292, %get3A_35, %broadcast_in_dim3A_294 : vector<16xi1>, vector<16xi32>
      %reduce_max3A_296 = arith.constant true
      %reduce_max3A_297 = vector.broadcast %reduce_max3A_296 : i1 to vector<16xi1>
      %reduce_max3A_298 = arith.constant -2147483648 : i32
      %reduce_max3A_299 = vector.broadcast %reduce_max3A_298 : i32 to vector<16xi32>
      %reduce_max3A_300 = arith.xori %select_n3A_295, %reduce_max3A_299 : vector<16xi32>
      %reduce_max3A_301 = tpu.scan <max>, %reduce_max3A_300 masked %reduce_max3A_297 : vector<16xi32>, vector<16xi1> -> vector<16xi32>
      %reduce_max3A_302 = arith.xori %reduce_max3A_301, %reduce_max3A_299 : vector<16xi32>
      %reduce_max3A_303 = vector.extract %reduce_max3A_302[15] : i32 from vector<16xi32>
      %mul3A_304 = arith.constant 16 : i32
      %mul3A_305 = arith.muli %scan3A_32, %mul3A_304 : i32
      %add3A_306 = arith.constant 10 : i32
      %add3A_307 = arith.addi %mul3A_305, %add3A_306 : i32
      %dma_start3A_308 = arith.constant 0 : i32
      %dma_start3A_309 = tpu.memref_slice %arg10[%add3A_307, %dma_start3A_308] : memref<512x64xf32, #tpu.memory_space<vmem>> -> memref<1x64xf32, #tpu.memory_space<vmem>>
      %dma_start3A_310 = arith.constant 0 : i32
      %dma_start3A_311 = tpu.memref_slice %arg4[%reduce_max3A_303, %dma_start3A_310] : memref<1000000x100xf32, #tpu.memory_space<hbm>> -> memref<1x64xf32, #tpu.memory_space<hbm>>
      %dma_start3A_312 = arith.constant 0 : i32
      %dma_start3A_313 = tpu.memref_slice %arg10[%add3A_307, %dma_start3A_312] : memref<512x64xf32, #tpu.memory_space<vmem>> -> memref<1x64xf32, #tpu.memory_space<vmem>>
      %dma_start3A_314 = arith.constant 0 : i32
      %dma_start3A_315 = tpu.memref_slice %arg4[%reduce_max3A_303, %dma_start3A_314] : memref<1000000x100xf32, #tpu.memory_space<hbm>> -> memref<1x64xf32, #tpu.memory_space<hbm>>
      tpu.enqueue_dma source(%dma_start3A_315 : memref<1x64xf32, #tpu.memory_space<hbm>>) target(%dma_start3A_313 : memref<1x64xf32, #tpu.memory_space<vmem>>) target_semaphore(%arg12 : memref<!tpu.dma_semaphore, #tpu.memory_space<semaphore_mem>>)
      %eq3A_316 = arith.constant 11 : i32
      %eq3A_317 = vector.broadcast %eq3A_316 : i32 to vector<16xi32>
      %eq3A_318 = arith.cmpi eq, %iota3A, %eq3A_317 : vector<16xi32>
      %jit3A_319 = arith.constant 0 : i32
      %broadcast_in_dim3A_320 = vector.broadcast %jit3A_319 : i32 to vector<16xi32>
      %select_n3A_321 = arith.select %eq3A_318, %get3A_35, %broadcast_in_dim3A_320 : vector<16xi1>, vector<16xi32>
      %reduce_max3A_322 = arith.constant true
      %reduce_max3A_323 = vector.broadcast %reduce_max3A_322 : i1 to vector<16xi1>
      %reduce_max3A_324 = arith.constant -2147483648 : i32
      %reduce_max3A_325 = vector.broadcast %reduce_max3A_324 : i32 to vector<16xi32>
      %reduce_max3A_326 = arith.xori %select_n3A_321, %reduce_max3A_325 : vector<16xi32>
      %reduce_max3A_327 = tpu.scan <max>, %reduce_max3A_326 masked %reduce_max3A_323 : vector<16xi32>, vector<16xi1> -> vector<16xi32>
      %reduce_max3A_328 = arith.xori %reduce_max3A_327, %reduce_max3A_325 : vector<16xi32>
      %reduce_max3A_329 = vector.extract %reduce_max3A_328[15] : i32 from vector<16xi32>
      %mul3A_330 = arith.constant 16 : i32
      %mul3A_331 = arith.muli %scan3A_32, %mul3A_330 : i32
      %add3A_332 = arith.constant 11 : i32
      %add3A_333 = arith.addi %mul3A_331, %add3A_332 : i32
      %dma_start3A_334 = arith.constant 0 : i32
      %dma_start3A_335 = tpu.memref_slice %arg10[%add3A_333, %dma_start3A_334] : memref<512x64xf32, #tpu.memory_space<vmem>> -> memref<1x64xf32, #tpu.memory_space<vmem>>
      %dma_start3A_336 = arith.constant 0 : i32
      %dma_start3A_337 = tpu.memref_slice %arg4[%reduce_max3A_329, %dma_start3A_336] : memref<1000000x100xf32, #tpu.memory_space<hbm>> -> memref<1x64xf32, #tpu.memory_space<hbm>>
      %dma_start3A_338 = arith.constant 0 : i32
      %dma_start3A_339 = tpu.memref_slice %arg10[%add3A_333, %dma_start3A_338] : memref<512x64xf32, #tpu.memory_space<vmem>> -> memref<1x64xf32, #tpu.memory_space<vmem>>
      %dma_start3A_340 = arith.constant 0 : i32
      %dma_start3A_341 = tpu.memref_slice %arg4[%reduce_max3A_329, %dma_start3A_340] : memref<1000000x100xf32, #tpu.memory_space<hbm>> -> memref<1x64xf32, #tpu.memory_space<hbm>>
      tpu.enqueue_dma source(%dma_start3A_341 : memref<1x64xf32, #tpu.memory_space<hbm>>) target(%dma_start3A_339 : memref<1x64xf32, #tpu.memory_space<vmem>>) target_semaphore(%arg12 : memref<!tpu.dma_semaphore, #tpu.memory_space<semaphore_mem>>)
      %eq3A_342 = arith.constant 12 : i32
      %eq3A_343 = vector.broadcast %eq3A_342 : i32 to vector<16xi32>
      %eq3A_344 = arith.cmpi eq, %iota3A, %eq3A_343 : vector<16xi32>
      %jit3A_345 = arith.constant 0 : i32
      %broadcast_in_dim3A_346 = vector.broadcast %jit3A_345 : i32 to vector<16xi32>
      %select_n3A_347 = arith.select %eq3A_344, %get3A_35, %broadcast_in_dim3A_346 : vector<16xi1>, vector<16xi32>
      %reduce_max3A_348 = arith.constant true
      %reduce_max3A_349 = vector.broadcast %reduce_max3A_348 : i1 to vector<16xi1>
      %reduce_max3A_350 = arith.constant -2147483648 : i32
      %reduce_max3A_351 = vector.broadcast %reduce_max3A_350 : i32 to vector<16xi32>
      %reduce_max3A_352 = arith.xori %select_n3A_347, %reduce_max3A_351 : vector<16xi32>
      %reduce_max3A_353 = tpu.scan <max>, %reduce_max3A_352 masked %reduce_max3A_349 : vector<16xi32>, vector<16xi1> -> vector<16xi32>
      %reduce_max3A_354 = arith.xori %reduce_max3A_353, %reduce_max3A_351 : vector<16xi32>
      %reduce_max3A_355 = vector.extract %reduce_max3A_354[15] : i32 from vector<16xi32>
      %mul3A_356 = arith.constant 16 : i32
      %mul3A_357 = arith.muli %scan3A_32, %mul3A_356 : i32
      %add3A_358 = arith.constant 12 : i32
      %add3A_359 = arith.addi %mul3A_357, %add3A_358 : i32
      %dma_start3A_360 = arith.constant 0 : i32
      %dma_start3A_361 = tpu.memref_slice %arg10[%add3A_359, %dma_start3A_360] : memref<512x64xf32, #tpu.memory_space<vmem>> -> memref<1x64xf32, #tpu.memory_space<vmem>>
      %dma_start3A_362 = arith.constant 0 : i32
      %dma_start3A_363 = tpu.memref_slice %arg4[%reduce_max3A_355, %dma_start3A_362] : memref<1000000x100xf32, #tpu.memory_space<hbm>> -> memref<1x64xf32, #tpu.memory_space<hbm>>
      %dma_start3A_364 = arith.constant 0 : i32
      %dma_start3A_365 = tpu.memref_slice %arg10[%add3A_359, %dma_start3A_364] : memref<512x64xf32, #tpu.memory_space<vmem>> -> memref<1x64xf32, #tpu.memory_space<vmem>>
      %dma_start3A_366 = arith.constant 0 : i32
      %dma_start3A_367 = tpu.memref_slice %arg4[%reduce_max3A_355, %dma_start3A_366] : memref<1000000x100xf32, #tpu.memory_space<hbm>> -> memref<1x64xf32, #tpu.memory_space<hbm>>
      tpu.enqueue_dma source(%dma_start3A_367 : memref<1x64xf32, #tpu.memory_space<hbm>>) target(%dma_start3A_365 : memref<1x64xf32, #tpu.memory_space<vmem>>) target_semaphore(%arg12 : memref<!tpu.dma_semaphore, #tpu.memory_space<semaphore_mem>>)
      %eq3A_368 = arith.constant 13 : i32
      %eq3A_369 = vector.broadcast %eq3A_368 : i32 to vector<16xi32>
      %eq3A_370 = arith.cmpi eq, %iota3A, %eq3A_369 : vector<16xi32>
      %jit3A_371 = arith.constant 0 : i32
      %broadcast_in_dim3A_372 = vector.broadcast %jit3A_371 : i32 to vector<16xi32>
      %select_n3A_373 = arith.select %eq3A_370, %get3A_35, %broadcast_in_dim3A_372 : vector<16xi1>, vector<16xi32>
      %reduce_max3A_374 = arith.constant true
      %reduce_max3A_375 = vector.broadcast %reduce_max3A_374 : i1 to vector<16xi1>
      %reduce_max3A_376 = arith.constant -2147483648 : i32
      %reduce_max3A_377 = vector.broadcast %reduce_max3A_376 : i32 to vector<16xi32>
      %reduce_max3A_378 = arith.xori %select_n3A_373, %reduce_max3A_377 : vector<16xi32>
      %reduce_max3A_379 = tpu.scan <max>, %reduce_max3A_378 masked %reduce_max3A_375 : vector<16xi32>, vector<16xi1> -> vector<16xi32>
      %reduce_max3A_380 = arith.xori %reduce_max3A_379, %reduce_max3A_377 : vector<16xi32>
      %reduce_max3A_381 = vector.extract %reduce_max3A_380[15] : i32 from vector<16xi32>
      %mul3A_382 = arith.constant 16 : i32
      %mul3A_383 = arith.muli %scan3A_32, %mul3A_382 : i32
      %add3A_384 = arith.constant 13 : i32
      %add3A_385 = arith.addi %mul3A_383, %add3A_384 : i32
      %dma_start3A_386 = arith.constant 0 : i32
      %dma_start3A_387 = tpu.memref_slice %arg10[%add3A_385, %dma_start3A_386] : memref<512x64xf32, #tpu.memory_space<vmem>> -> memref<1x64xf32, #tpu.memory_space<vmem>>
      %dma_start3A_388 = arith.constant 0 : i32
      %dma_start3A_389 = tpu.memref_slice %arg4[%reduce_max3A_381, %dma_start3A_388] : memref<1000000x100xf32, #tpu.memory_space<hbm>> -> memref<1x64xf32, #tpu.memory_space<hbm>>
      %dma_start3A_390 = arith.constant 0 : i32
      %dma_start3A_391 = tpu.memref_slice %arg10[%add3A_385, %dma_start3A_390] : memref<512x64xf32, #tpu.memory_space<vmem>> -> memref<1x64xf32, #tpu.memory_space<vmem>>
      %dma_start3A_392 = arith.constant 0 : i32
      %dma_start3A_393 = tpu.memref_slice %arg4[%reduce_max3A_381, %dma_start3A_392] : memref<1000000x100xf32, #tpu.memory_space<hbm>> -> memref<1x64xf32, #tpu.memory_space<hbm>>
      tpu.enqueue_dma source(%dma_start3A_393 : memref<1x64xf32, #tpu.memory_space<hbm>>) target(%dma_start3A_391 : memref<1x64xf32, #tpu.memory_space<vmem>>) target_semaphore(%arg12 : memref<!tpu.dma_semaphore, #tpu.memory_space<semaphore_mem>>)
      %eq3A_394 = arith.constant 14 : i32
      %eq3A_395 = vector.broadcast %eq3A_394 : i32 to vector<16xi32>
      %eq3A_396 = arith.cmpi eq, %iota3A, %eq3A_395 : vector<16xi32>
      %jit3A_397 = arith.constant 0 : i32
      %broadcast_in_dim3A_398 = vector.broadcast %jit3A_397 : i32 to vector<16xi32>
      %select_n3A_399 = arith.select %eq3A_396, %get3A_35, %broadcast_in_dim3A_398 : vector<16xi1>, vector<16xi32>
      %reduce_max3A_400 = arith.constant true
      %reduce_max3A_401 = vector.broadcast %reduce_max3A_400 : i1 to vector<16xi1>
      %reduce_max3A_402 = arith.constant -2147483648 : i32
      %reduce_max3A_403 = vector.broadcast %reduce_max3A_402 : i32 to vector<16xi32>
      %reduce_max3A_404 = arith.xori %select_n3A_399, %reduce_max3A_403 : vector<16xi32>
      %reduce_max3A_405 = tpu.scan <max>, %reduce_max3A_404 masked %reduce_max3A_401 : vector<16xi32>, vector<16xi1> -> vector<16xi32>
      %reduce_max3A_406 = arith.xori %reduce_max3A_405, %reduce_max3A_403 : vector<16xi32>
      %reduce_max3A_407 = vector.extract %reduce_max3A_406[15] : i32 from vector<16xi32>
      %mul3A_408 = arith.constant 16 : i32
      %mul3A_409 = arith.muli %scan3A_32, %mul3A_408 : i32
      %add3A_410 = arith.constant 14 : i32
      %add3A_411 = arith.addi %mul3A_409, %add3A_410 : i32
      %dma_start3A_412 = arith.constant 0 : i32
      %dma_start3A_413 = tpu.memref_slice %arg10[%add3A_411, %dma_start3A_412] : memref<512x64xf32, #tpu.memory_space<vmem>> -> memref<1x64xf32, #tpu.memory_space<vmem>>
      %dma_start3A_414 = arith.constant 0 : i32
      %dma_start3A_415 = tpu.memref_slice %arg4[%reduce_max3A_407, %dma_start3A_414] : memref<1000000x100xf32, #tpu.memory_space<hbm>> -> memref<1x64xf32, #tpu.memory_space<hbm>>
      %dma_start3A_416 = arith.constant 0 : i32
      %dma_start3A_417 = tpu.memref_slice %arg10[%add3A_411, %dma_start3A_416] : memref<512x64xf32, #tpu.memory_space<vmem>> -> memref<1x64xf32, #tpu.memory_space<vmem>>
      %dma_start3A_418 = arith.constant 0 : i32
      %dma_start3A_419 = tpu.memref_slice %arg4[%reduce_max3A_407, %dma_start3A_418] : memref<1000000x100xf32, #tpu.memory_space<hbm>> -> memref<1x64xf32, #tpu.memory_space<hbm>>
      tpu.enqueue_dma source(%dma_start3A_419 : memref<1x64xf32, #tpu.memory_space<hbm>>) target(%dma_start3A_417 : memref<1x64xf32, #tpu.memory_space<vmem>>) target_semaphore(%arg12 : memref<!tpu.dma_semaphore, #tpu.memory_space<semaphore_mem>>)
      %eq3A_420 = arith.constant 15 : i32
      %eq3A_421 = vector.broadcast %eq3A_420 : i32 to vector<16xi32>
      %eq3A_422 = arith.cmpi eq, %iota3A, %eq3A_421 : vector<16xi32>
      %jit3A_423 = arith.constant 0 : i32
      %broadcast_in_dim3A_424 = vector.broadcast %jit3A_423 : i32 to vector<16xi32>
      %select_n3A_425 = arith.select %eq3A_422, %get3A_35, %broadcast_in_dim3A_424 : vector<16xi1>, vector<16xi32>
      %reduce_max3A_426 = arith.constant true
      %reduce_max3A_427 = vector.broadcast %reduce_max3A_426 : i1 to vector<16xi1>
      %reduce_max3A_428 = arith.constant -2147483648 : i32
      %reduce_max3A_429 = vector.broadcast %reduce_max3A_428 : i32 to vector<16xi32>
      %reduce_max3A_430 = arith.xori %select_n3A_425, %reduce_max3A_429 : vector<16xi32>
      %reduce_max3A_431 = tpu.scan <max>, %reduce_max3A_430 masked %reduce_max3A_427 : vector<16xi32>, vector<16xi1> -> vector<16xi32>
      %reduce_max3A_432 = arith.xori %reduce_max3A_431, %reduce_max3A_429 : vector<16xi32>
      %reduce_max3A_433 = vector.extract %reduce_max3A_432[15] : i32 from vector<16xi32>
      %mul3A_434 = arith.constant 16 : i32
      %mul3A_435 = arith.muli %scan3A_32, %mul3A_434 : i32
      %add3A_436 = arith.constant 15 : i32
      %add3A_437 = arith.addi %mul3A_435, %add3A_436 : i32
      %dma_start3A_438 = arith.constant 0 : i32
      %dma_start3A_439 = tpu.memref_slice %arg10[%add3A_437, %dma_start3A_438] : memref<512x64xf32, #tpu.memory_space<vmem>> -> memref<1x64xf32, #tpu.memory_space<vmem>>
      %dma_start3A_440 = arith.constant 0 : i32
      %dma_start3A_441 = tpu.memref_slice %arg4[%reduce_max3A_433, %dma_start3A_440] : memref<1000000x100xf32, #tpu.memory_space<hbm>> -> memref<1x64xf32, #tpu.memory_space<hbm>>
      %dma_start3A_442 = arith.constant 0 : i32
      %dma_start3A_443 = tpu.memref_slice %arg10[%add3A_437, %dma_start3A_442] : memref<512x64xf32, #tpu.memory_space<vmem>> -> memref<1x64xf32, #tpu.memory_space<vmem>>
      %dma_start3A_444 = arith.constant 0 : i32
      %dma_start3A_445 = tpu.memref_slice %arg4[%reduce_max3A_433, %dma_start3A_444] : memref<1000000x100xf32, #tpu.memory_space<hbm>> -> memref<1x64xf32, #tpu.memory_space<hbm>>
      tpu.enqueue_dma source(%dma_start3A_445 : memref<1x64xf32, #tpu.memory_space<hbm>>) target(%dma_start3A_443 : memref<1x64xf32, #tpu.memory_space<vmem>>) target_semaphore(%arg12 : memref<!tpu.dma_semaphore, #tpu.memory_space<semaphore_mem>>)
    }
    %scan3A_7 = arith.constant 32 : i32
    %iota3A_8 = tpu.iota {dimensions = array<i32: 0>} : vector<16xi32>
    %scan3A_9 = arith.constant 0 : i32
    %scan3A_10 = arith.constant 0 : i32
    %scan3A_11 = arith.constant 32 : i32
    %scan3A_12 = arith.addi %scan3A_10, %scan3A_11 : i32
    %scan3A_13 = arith.constant 1 : i32
    scf.for %scan3A_32 = %scan3A_10 to %scan3A_12 step %scan3A_13  : i32 {
      %mul3A_33 = arith.constant 16 : i32
      %mul3A_34 = arith.muli %scan3A_32, %mul3A_33 : i32
      %get3A = arith.index_cast %mul3A_34 : i32 to index
      %get3A_35 = tpu.vector_load %arg9[%get3A] {strides = array<i32>} : memref<512xi32, #tpu.memory_space<vmem>>, vector<16xi32>,
      %eq3A = arith.constant 0 : i32
      %eq3A_36 = vector.broadcast %eq3A : i32 to vector<16xi32>
      %eq3A_37 = arith.cmpi eq, %iota3A_8, %eq3A_36 : vector<16xi32>
      %jit3A = arith.constant 0 : i32
      %broadcast_in_dim3A = vector.broadcast %jit3A : i32 to vector<16xi32>
      %select_n3A = arith.select %eq3A_37, %get3A_35, %broadcast_in_dim3A : vector<16xi1>, vector<16xi32>
      %reduce_max3A = arith.constant true
      %reduce_max3A_38 = vector.broadcast %reduce_max3A : i1 to vector<16xi1>
      %reduce_max3A_39 = arith.constant -2147483648 : i32
      %reduce_max3A_40 = vector.broadcast %reduce_max3A_39 : i32 to vector<16xi32>
      %reduce_max3A_41 = arith.xori %select_n3A, %reduce_max3A_40 : vector<16xi32>
      %reduce_max3A_42 = tpu.scan <max>, %reduce_max3A_41 masked %reduce_max3A_38 : vector<16xi32>, vector<16xi1> -> vector<16xi32>
      %reduce_max3A_43 = arith.xori %reduce_max3A_42, %reduce_max3A_40 : vector<16xi32>
      %reduce_max3A_44 = vector.extract %reduce_max3A_43[15] : i32 from vector<16xi32>
      %mul3A_45 = arith.constant 16 : i32
      %mul3A_46 = arith.muli %scan3A_32, %mul3A_45 : i32
      %add3A_47 = arith.constant 0 : i32
      %add3A_48 = arith.addi %mul3A_46, %add3A_47 : i32
      %dma_start3A = arith.constant 0 : i32
      %dma_start3A_49 = tpu.memref_slice %arg11[%add3A_48, %dma_start3A] : memref<512x64xf32, #tpu.memory_space<vmem>> -> memref<1x64xf32, #tpu.memory_space<vmem>>
      %dma_start3A_50 = arith.constant 0 : i32
      %dma_start3A_51 = tpu.memref_slice %arg5[%reduce_max3A_44, %dma_start3A_50] : memref<100000x100xf32, #tpu.memory_space<hbm>> -> memref<1x64xf32, #tpu.memory_space<hbm>>
      %dma_start3A_52 = arith.constant 0 : i32
      %dma_start3A_53 = tpu.memref_slice %arg11[%add3A_48, %dma_start3A_52] : memref<512x64xf32, #tpu.memory_space<vmem>> -> memref<1x64xf32, #tpu.memory_space<vmem>>
      %dma_start3A_54 = arith.constant 0 : i32
      %dma_start3A_55 = tpu.memref_slice %arg5[%reduce_max3A_44, %dma_start3A_54] : memref<100000x100xf32, #tpu.memory_space<hbm>> -> memref<1x64xf32, #tpu.memory_space<hbm>>
      tpu.enqueue_dma source(%dma_start3A_55 : memref<1x64xf32, #tpu.memory_space<hbm>>) target(%dma_start3A_53 : memref<1x64xf32, #tpu.memory_space<vmem>>) target_semaphore(%arg13 : memref<!tpu.dma_semaphore, #tpu.memory_space<semaphore_mem>>)
      %eq3A_56 = arith.constant 1 : i32
      %eq3A_57 = vector.broadcast %eq3A_56 : i32 to vector<16xi32>
      %eq3A_58 = arith.cmpi eq, %iota3A_8, %eq3A_57 : vector<16xi32>
      %jit3A_59 = arith.constant 0 : i32
      %broadcast_in_dim3A_60 = vector.broadcast %jit3A_59 : i32 to vector<16xi32>
      %select_n3A_61 = arith.select %eq3A_58, %get3A_35, %broadcast_in_dim3A_60 : vector<16xi1>, vector<16xi32>
      %reduce_max3A_62 = arith.constant true
      %reduce_max3A_63 = vector.broadcast %reduce_max3A_62 : i1 to vector<16xi1>
      %reduce_max3A_64 = arith.constant -2147483648 : i32
      %reduce_max3A_65 = vector.broadcast %reduce_max3A_64 : i32 to vector<16xi32>
      %reduce_max3A_66 = arith.xori %select_n3A_61, %reduce_max3A_65 : vector<16xi32>
      %reduce_max3A_67 = tpu.scan <max>, %reduce_max3A_66 masked %reduce_max3A_63 : vector<16xi32>, vector<16xi1> -> vector<16xi32>
      %reduce_max3A_68 = arith.xori %reduce_max3A_67, %reduce_max3A_65 : vector<16xi32>
      %reduce_max3A_69 = vector.extract %reduce_max3A_68[15] : i32 from vector<16xi32>
      %mul3A_70 = arith.constant 16 : i32
      %mul3A_71 = arith.muli %scan3A_32, %mul3A_70 : i32
      %add3A_72 = arith.constant 1 : i32
      %add3A_73 = arith.addi %mul3A_71, %add3A_72 : i32
      %dma_start3A_74 = arith.constant 0 : i32
      %dma_start3A_75 = tpu.memref_slice %arg11[%add3A_73, %dma_start3A_74] : memref<512x64xf32, #tpu.memory_space<vmem>> -> memref<1x64xf32, #tpu.memory_space<vmem>>
      %dma_start3A_76 = arith.constant 0 : i32
      %dma_start3A_77 = tpu.memref_slice %arg5[%reduce_max3A_69, %dma_start3A_76] : memref<100000x100xf32, #tpu.memory_space<hbm>> -> memref<1x64xf32, #tpu.memory_space<hbm>>
      %dma_start3A_78 = arith.constant 0 : i32
      %dma_start3A_79 = tpu.memref_slice %arg11[%add3A_73, %dma_start3A_78] : memref<512x64xf32, #tpu.memory_space<vmem>> -> memref<1x64xf32, #tpu.memory_space<vmem>>
      %dma_start3A_80 = arith.constant 0 : i32
      %dma_start3A_81 = tpu.memref_slice %arg5[%reduce_max3A_69, %dma_start3A_80] : memref<100000x100xf32, #tpu.memory_space<hbm>> -> memref<1x64xf32, #tpu.memory_space<hbm>>
      tpu.enqueue_dma source(%dma_start3A_81 : memref<1x64xf32, #tpu.memory_space<hbm>>) target(%dma_start3A_79 : memref<1x64xf32, #tpu.memory_space<vmem>>) target_semaphore(%arg13 : memref<!tpu.dma_semaphore, #tpu.memory_space<semaphore_mem>>)
      %eq3A_82 = arith.constant 2 : i32
      %eq3A_83 = vector.broadcast %eq3A_82 : i32 to vector<16xi32>
      %eq3A_84 = arith.cmpi eq, %iota3A_8, %eq3A_83 : vector<16xi32>
      %jit3A_85 = arith.constant 0 : i32
      %broadcast_in_dim3A_86 = vector.broadcast %jit3A_85 : i32 to vector<16xi32>
      %select_n3A_87 = arith.select %eq3A_84, %get3A_35, %broadcast_in_dim3A_86 : vector<16xi1>, vector<16xi32>
      %reduce_max3A_88 = arith.constant true
      %reduce_max3A_89 = vector.broadcast %reduce_max3A_88 : i1 to vector<16xi1>
      %reduce_max3A_90 = arith.constant -2147483648 : i32
      %reduce_max3A_91 = vector.broadcast %reduce_max3A_90 : i32 to vector<16xi32>
      %reduce_max3A_92 = arith.xori %select_n3A_87, %reduce_max3A_91 : vector<16xi32>
      %reduce_max3A_93 = tpu.scan <max>, %reduce_max3A_92 masked %reduce_max3A_89 : vector<16xi32>, vector<16xi1> -> vector<16xi32>
      %reduce_max3A_94 = arith.xori %reduce_max3A_93, %reduce_max3A_91 : vector<16xi32>
      %reduce_max3A_95 = vector.extract %reduce_max3A_94[15] : i32 from vector<16xi32>
      %mul3A_96 = arith.constant 16 : i32
      %mul3A_97 = arith.muli %scan3A_32, %mul3A_96 : i32
      %add3A_98 = arith.constant 2 : i32
      %add3A_99 = arith.addi %mul3A_97, %add3A_98 : i32
      %dma_start3A_100 = arith.constant 0 : i32
      %dma_start3A_101 = tpu.memref_slice %arg11[%add3A_99, %dma_start3A_100] : memref<512x64xf32, #tpu.memory_space<vmem>> -> memref<1x64xf32, #tpu.memory_space<vmem>>
      %dma_start3A_102 = arith.constant 0 : i32
      %dma_start3A_103 = tpu.memref_slice %arg5[%reduce_max3A_95, %dma_start3A_102] : memref<100000x100xf32, #tpu.memory_space<hbm>> -> memref<1x64xf32, #tpu.memory_space<hbm>>
      %dma_start3A_104 = arith.constant 0 : i32
      %dma_start3A_105 = tpu.memref_slice %arg11[%add3A_99, %dma_start3A_104] : memref<512x64xf32, #tpu.memory_space<vmem>> -> memref<1x64xf32, #tpu.memory_space<vmem>>
      %dma_start3A_106 = arith.constant 0 : i32
      %dma_start3A_107 = tpu.memref_slice %arg5[%reduce_max3A_95, %dma_start3A_106] : memref<100000x100xf32, #tpu.memory_space<hbm>> -> memref<1x64xf32, #tpu.memory_space<hbm>>
      tpu.enqueue_dma source(%dma_start3A_107 : memref<1x64xf32, #tpu.memory_space<hbm>>) target(%dma_start3A_105 : memref<1x64xf32, #tpu.memory_space<vmem>>) target_semaphore(%arg13 : memref<!tpu.dma_semaphore, #tpu.memory_space<semaphore_mem>>)
      %eq3A_108 = arith.constant 3 : i32
      %eq3A_109 = vector.broadcast %eq3A_108 : i32 to vector<16xi32>
      %eq3A_110 = arith.cmpi eq, %iota3A_8, %eq3A_109 : vector<16xi32>
      %jit3A_111 = arith.constant 0 : i32
      %broadcast_in_dim3A_112 = vector.broadcast %jit3A_111 : i32 to vector<16xi32>
      %select_n3A_113 = arith.select %eq3A_110, %get3A_35, %broadcast_in_dim3A_112 : vector<16xi1>, vector<16xi32>
      %reduce_max3A_114 = arith.constant true
      %reduce_max3A_115 = vector.broadcast %reduce_max3A_114 : i1 to vector<16xi1>
      %reduce_max3A_116 = arith.constant -2147483648 : i32
      %reduce_max3A_117 = vector.broadcast %reduce_max3A_116 : i32 to vector<16xi32>
      %reduce_max3A_118 = arith.xori %select_n3A_113, %reduce_max3A_117 : vector<16xi32>
      %reduce_max3A_119 = tpu.scan <max>, %reduce_max3A_118 masked %reduce_max3A_115 : vector<16xi32>, vector<16xi1> -> vector<16xi32>
      %reduce_max3A_120 = arith.xori %reduce_max3A_119, %reduce_max3A_117 : vector<16xi32>
      %reduce_max3A_121 = vector.extract %reduce_max3A_120[15] : i32 from vector<16xi32>
      %mul3A_122 = arith.constant 16 : i32
      %mul3A_123 = arith.muli %scan3A_32, %mul3A_122 : i32
      %add3A_124 = arith.constant 3 : i32
      %add3A_125 = arith.addi %mul3A_123, %add3A_124 : i32
      %dma_start3A_126 = arith.constant 0 : i32
      %dma_start3A_127 = tpu.memref_slice %arg11[%add3A_125, %dma_start3A_126] : memref<512x64xf32, #tpu.memory_space<vmem>> -> memref<1x64xf32, #tpu.memory_space<vmem>>
      %dma_start3A_128 = arith.constant 0 : i32
      %dma_start3A_129 = tpu.memref_slice %arg5[%reduce_max3A_121, %dma_start3A_128] : memref<100000x100xf32, #tpu.memory_space<hbm>> -> memref<1x64xf32, #tpu.memory_space<hbm>>
      %dma_start3A_130 = arith.constant 0 : i32
      %dma_start3A_131 = tpu.memref_slice %arg11[%add3A_125, %dma_start3A_130] : memref<512x64xf32, #tpu.memory_space<vmem>> -> memref<1x64xf32, #tpu.memory_space<vmem>>
      %dma_start3A_132 = arith.constant 0 : i32
      %dma_start3A_133 = tpu.memref_slice %arg5[%reduce_max3A_121, %dma_start3A_132] : memref<100000x100xf32, #tpu.memory_space<hbm>> -> memref<1x64xf32, #tpu.memory_space<hbm>>
      tpu.enqueue_dma source(%dma_start3A_133 : memref<1x64xf32, #tpu.memory_space<hbm>>) target(%dma_start3A_131 : memref<1x64xf32, #tpu.memory_space<vmem>>) target_semaphore(%arg13 : memref<!tpu.dma_semaphore, #tpu.memory_space<semaphore_mem>>)
      %eq3A_134 = arith.constant 4 : i32
      %eq3A_135 = vector.broadcast %eq3A_134 : i32 to vector<16xi32>
      %eq3A_136 = arith.cmpi eq, %iota3A_8, %eq3A_135 : vector<16xi32>
      %jit3A_137 = arith.constant 0 : i32
      %broadcast_in_dim3A_138 = vector.broadcast %jit3A_137 : i32 to vector<16xi32>
      %select_n3A_139 = arith.select %eq3A_136, %get3A_35, %broadcast_in_dim3A_138 : vector<16xi1>, vector<16xi32>
      %reduce_max3A_140 = arith.constant true
      %reduce_max3A_141 = vector.broadcast %reduce_max3A_140 : i1 to vector<16xi1>
      %reduce_max3A_142 = arith.constant -2147483648 : i32
      %reduce_max3A_143 = vector.broadcast %reduce_max3A_142 : i32 to vector<16xi32>
      %reduce_max3A_144 = arith.xori %select_n3A_139, %reduce_max3A_143 : vector<16xi32>
      %reduce_max3A_145 = tpu.scan <max>, %reduce_max3A_144 masked %reduce_max3A_141 : vector<16xi32>, vector<16xi1> -> vector<16xi32>
      %reduce_max3A_146 = arith.xori %reduce_max3A_145, %reduce_max3A_143 : vector<16xi32>
      %reduce_max3A_147 = vector.extract %reduce_max3A_146[15] : i32 from vector<16xi32>
      %mul3A_148 = arith.constant 16 : i32
      %mul3A_149 = arith.muli %scan3A_32, %mul3A_148 : i32
      %add3A_150 = arith.constant 4 : i32
      %add3A_151 = arith.addi %mul3A_149, %add3A_150 : i32
      %dma_start3A_152 = arith.constant 0 : i32
      %dma_start3A_153 = tpu.memref_slice %arg11[%add3A_151, %dma_start3A_152] : memref<512x64xf32, #tpu.memory_space<vmem>> -> memref<1x64xf32, #tpu.memory_space<vmem>>
      %dma_start3A_154 = arith.constant 0 : i32
      %dma_start3A_155 = tpu.memref_slice %arg5[%reduce_max3A_147, %dma_start3A_154] : memref<100000x100xf32, #tpu.memory_space<hbm>> -> memref<1x64xf32, #tpu.memory_space<hbm>>
      %dma_start3A_156 = arith.constant 0 : i32
      %dma_start3A_157 = tpu.memref_slice %arg11[%add3A_151, %dma_start3A_156] : memref<512x64xf32, #tpu.memory_space<vmem>> -> memref<1x64xf32, #tpu.memory_space<vmem>>
      %dma_start3A_158 = arith.constant 0 : i32
      %dma_start3A_159 = tpu.memref_slice %arg5[%reduce_max3A_147, %dma_start3A_158] : memref<100000x100xf32, #tpu.memory_space<hbm>> -> memref<1x64xf32, #tpu.memory_space<hbm>>
      tpu.enqueue_dma source(%dma_start3A_159 : memref<1x64xf32, #tpu.memory_space<hbm>>) target(%dma_start3A_157 : memref<1x64xf32, #tpu.memory_space<vmem>>) target_semaphore(%arg13 : memref<!tpu.dma_semaphore, #tpu.memory_space<semaphore_mem>>)
      %eq3A_160 = arith.constant 5 : i32
      %eq3A_161 = vector.broadcast %eq3A_160 : i32 to vector<16xi32>
      %eq3A_162 = arith.cmpi eq, %iota3A_8, %eq3A_161 : vector<16xi32>
      %jit3A_163 = arith.constant 0 : i32
      %broadcast_in_dim3A_164 = vector.broadcast %jit3A_163 : i32 to vector<16xi32>
      %select_n3A_165 = arith.select %eq3A_162, %get3A_35, %broadcast_in_dim3A_164 : vector<16xi1>, vector<16xi32>
      %reduce_max3A_166 = arith.constant true
      %reduce_max3A_167 = vector.broadcast %reduce_max3A_166 : i1 to vector<16xi1>
      %reduce_max3A_168 = arith.constant -2147483648 : i32
      %reduce_max3A_169 = vector.broadcast %reduce_max3A_168 : i32 to vector<16xi32>
      %reduce_max3A_170 = arith.xori %select_n3A_165, %reduce_max3A_169 : vector<16xi32>
      %reduce_max3A_171 = tpu.scan <max>, %reduce_max3A_170 masked %reduce_max3A_167 : vector<16xi32>, vector<16xi1> -> vector<16xi32>
      %reduce_max3A_172 = arith.xori %reduce_max3A_171, %reduce_max3A_169 : vector<16xi32>
      %reduce_max3A_173 = vector.extract %reduce_max3A_172[15] : i32 from vector<16xi32>
      %mul3A_174 = arith.constant 16 : i32
      %mul3A_175 = arith.muli %scan3A_32, %mul3A_174 : i32
      %add3A_176 = arith.constant 5 : i32
      %add3A_177 = arith.addi %mul3A_175, %add3A_176 : i32
      %dma_start3A_178 = arith.constant 0 : i32
      %dma_start3A_179 = tpu.memref_slice %arg11[%add3A_177, %dma_start3A_178] : memref<512x64xf32, #tpu.memory_space<vmem>> -> memref<1x64xf32, #tpu.memory_space<vmem>>
      %dma_start3A_180 = arith.constant 0 : i32
      %dma_start3A_181 = tpu.memref_slice %arg5[%reduce_max3A_173, %dma_start3A_180] : memref<100000x100xf32, #tpu.memory_space<hbm>> -> memref<1x64xf32, #tpu.memory_space<hbm>>
      %dma_start3A_182 = arith.constant 0 : i32
      %dma_start3A_183 = tpu.memref_slice %arg11[%add3A_177, %dma_start3A_182] : memref<512x64xf32, #tpu.memory_space<vmem>> -> memref<1x64xf32, #tpu.memory_space<vmem>>
      %dma_start3A_184 = arith.constant 0 : i32
      %dma_start3A_185 = tpu.memref_slice %arg5[%reduce_max3A_173, %dma_start3A_184] : memref<100000x100xf32, #tpu.memory_space<hbm>> -> memref<1x64xf32, #tpu.memory_space<hbm>>
      tpu.enqueue_dma source(%dma_start3A_185 : memref<1x64xf32, #tpu.memory_space<hbm>>) target(%dma_start3A_183 : memref<1x64xf32, #tpu.memory_space<vmem>>) target_semaphore(%arg13 : memref<!tpu.dma_semaphore, #tpu.memory_space<semaphore_mem>>)
      %eq3A_186 = arith.constant 6 : i32
      %eq3A_187 = vector.broadcast %eq3A_186 : i32 to vector<16xi32>
      %eq3A_188 = arith.cmpi eq, %iota3A_8, %eq3A_187 : vector<16xi32>
      %jit3A_189 = arith.constant 0 : i32
      %broadcast_in_dim3A_190 = vector.broadcast %jit3A_189 : i32 to vector<16xi32>
      %select_n3A_191 = arith.select %eq3A_188, %get3A_35, %broadcast_in_dim3A_190 : vector<16xi1>, vector<16xi32>
      %reduce_max3A_192 = arith.constant true
      %reduce_max3A_193 = vector.broadcast %reduce_max3A_192 : i1 to vector<16xi1>
      %reduce_max3A_194 = arith.constant -2147483648 : i32
      %reduce_max3A_195 = vector.broadcast %reduce_max3A_194 : i32 to vector<16xi32>
      %reduce_max3A_196 = arith.xori %select_n3A_191, %reduce_max3A_195 : vector<16xi32>
      %reduce_max3A_197 = tpu.scan <max>, %reduce_max3A_196 masked %reduce_max3A_193 : vector<16xi32>, vector<16xi1> -> vector<16xi32>
      %reduce_max3A_198 = arith.xori %reduce_max3A_197, %reduce_max3A_195 : vector<16xi32>
      %reduce_max3A_199 = vector.extract %reduce_max3A_198[15] : i32 from vector<16xi32>
      %mul3A_200 = arith.constant 16 : i32
      %mul3A_201 = arith.muli %scan3A_32, %mul3A_200 : i32
      %add3A_202 = arith.constant 6 : i32
      %add3A_203 = arith.addi %mul3A_201, %add3A_202 : i32
      %dma_start3A_204 = arith.constant 0 : i32
      %dma_start3A_205 = tpu.memref_slice %arg11[%add3A_203, %dma_start3A_204] : memref<512x64xf32, #tpu.memory_space<vmem>> -> memref<1x64xf32, #tpu.memory_space<vmem>>
      %dma_start3A_206 = arith.constant 0 : i32
      %dma_start3A_207 = tpu.memref_slice %arg5[%reduce_max3A_199, %dma_start3A_206] : memref<100000x100xf32, #tpu.memory_space<hbm>> -> memref<1x64xf32, #tpu.memory_space<hbm>>
      %dma_start3A_208 = arith.constant 0 : i32
      %dma_start3A_209 = tpu.memref_slice %arg11[%add3A_203, %dma_start3A_208] : memref<512x64xf32, #tpu.memory_space<vmem>> -> memref<1x64xf32, #tpu.memory_space<vmem>>
      %dma_start3A_210 = arith.constant 0 : i32
      %dma_start3A_211 = tpu.memref_slice %arg5[%reduce_max3A_199, %dma_start3A_210] : memref<100000x100xf32, #tpu.memory_space<hbm>> -> memref<1x64xf32, #tpu.memory_space<hbm>>
      tpu.enqueue_dma source(%dma_start3A_211 : memref<1x64xf32, #tpu.memory_space<hbm>>) target(%dma_start3A_209 : memref<1x64xf32, #tpu.memory_space<vmem>>) target_semaphore(%arg13 : memref<!tpu.dma_semaphore, #tpu.memory_space<semaphore_mem>>)
      %eq3A_212 = arith.constant 7 : i32
      %eq3A_213 = vector.broadcast %eq3A_212 : i32 to vector<16xi32>
      %eq3A_214 = arith.cmpi eq, %iota3A_8, %eq3A_213 : vector<16xi32>
      %jit3A_215 = arith.constant 0 : i32
      %broadcast_in_dim3A_216 = vector.broadcast %jit3A_215 : i32 to vector<16xi32>
      %select_n3A_217 = arith.select %eq3A_214, %get3A_35, %broadcast_in_dim3A_216 : vector<16xi1>, vector<16xi32>
      %reduce_max3A_218 = arith.constant true
      %reduce_max3A_219 = vector.broadcast %reduce_max3A_218 : i1 to vector<16xi1>
      %reduce_max3A_220 = arith.constant -2147483648 : i32
      %reduce_max3A_221 = vector.broadcast %reduce_max3A_220 : i32 to vector<16xi32>
      %reduce_max3A_222 = arith.xori %select_n3A_217, %reduce_max3A_221 : vector<16xi32>
      %reduce_max3A_223 = tpu.scan <max>, %reduce_max3A_222 masked %reduce_max3A_219 : vector<16xi32>, vector<16xi1> -> vector<16xi32>
      %reduce_max3A_224 = arith.xori %reduce_max3A_223, %reduce_max3A_221 : vector<16xi32>
      %reduce_max3A_225 = vector.extract %reduce_max3A_224[15] : i32 from vector<16xi32>
      %mul3A_226 = arith.constant 16 : i32
      %mul3A_227 = arith.muli %scan3A_32, %mul3A_226 : i32
      %add3A_228 = arith.constant 7 : i32
      %add3A_229 = arith.addi %mul3A_227, %add3A_228 : i32
      %dma_start3A_230 = arith.constant 0 : i32
      %dma_start3A_231 = tpu.memref_slice %arg11[%add3A_229, %dma_start3A_230] : memref<512x64xf32, #tpu.memory_space<vmem>> -> memref<1x64xf32, #tpu.memory_space<vmem>>
      %dma_start3A_232 = arith.constant 0 : i32
      %dma_start3A_233 = tpu.memref_slice %arg5[%reduce_max3A_225, %dma_start3A_232] : memref<100000x100xf32, #tpu.memory_space<hbm>> -> memref<1x64xf32, #tpu.memory_space<hbm>>
      %dma_start3A_234 = arith.constant 0 : i32
      %dma_start3A_235 = tpu.memref_slice %arg11[%add3A_229, %dma_start3A_234] : memref<512x64xf32, #tpu.memory_space<vmem>> -> memref<1x64xf32, #tpu.memory_space<vmem>>
      %dma_start3A_236 = arith.constant 0 : i32
      %dma_start3A_237 = tpu.memref_slice %arg5[%reduce_max3A_225, %dma_start3A_236] : memref<100000x100xf32, #tpu.memory_space<hbm>> -> memref<1x64xf32, #tpu.memory_space<hbm>>
      tpu.enqueue_dma source(%dma_start3A_237 : memref<1x64xf32, #tpu.memory_space<hbm>>) target(%dma_start3A_235 : memref<1x64xf32, #tpu.memory_space<vmem>>) target_semaphore(%arg13 : memref<!tpu.dma_semaphore, #tpu.memory_space<semaphore_mem>>)
      %eq3A_238 = arith.constant 8 : i32
      %eq3A_239 = vector.broadcast %eq3A_238 : i32 to vector<16xi32>
      %eq3A_240 = arith.cmpi eq, %iota3A_8, %eq3A_239 : vector<16xi32>
      %jit3A_241 = arith.constant 0 : i32
      %broadcast_in_dim3A_242 = vector.broadcast %jit3A_241 : i32 to vector<16xi32>
      %select_n3A_243 = arith.select %eq3A_240, %get3A_35, %broadcast_in_dim3A_242 : vector<16xi1>, vector<16xi32>
      %reduce_max3A_244 = arith.constant true
      %reduce_max3A_245 = vector.broadcast %reduce_max3A_244 : i1 to vector<16xi1>
      %reduce_max3A_246 = arith.constant -2147483648 : i32
      %reduce_max3A_247 = vector.broadcast %reduce_max3A_246 : i32 to vector<16xi32>
      %reduce_max3A_248 = arith.xori %select_n3A_243, %reduce_max3A_247 : vector<16xi32>
      %reduce_max3A_249 = tpu.scan <max>, %reduce_max3A_248 masked %reduce_max3A_245 : vector<16xi32>, vector<16xi1> -> vector<16xi32>
      %reduce_max3A_250 = arith.xori %reduce_max3A_249, %reduce_max3A_247 : vector<16xi32>
      %reduce_max3A_251 = vector.extract %reduce_max3A_250[15] : i32 from vector<16xi32>
      %mul3A_252 = arith.constant 16 : i32
      %mul3A_253 = arith.muli %scan3A_32, %mul3A_252 : i32
      %add3A_254 = arith.constant 8 : i32
      %add3A_255 = arith.addi %mul3A_253, %add3A_254 : i32
      %dma_start3A_256 = arith.constant 0 : i32
      %dma_start3A_257 = tpu.memref_slice %arg11[%add3A_255, %dma_start3A_256] : memref<512x64xf32, #tpu.memory_space<vmem>> -> memref<1x64xf32, #tpu.memory_space<vmem>>
      %dma_start3A_258 = arith.constant 0 : i32
      %dma_start3A_259 = tpu.memref_slice %arg5[%reduce_max3A_251, %dma_start3A_258] : memref<100000x100xf32, #tpu.memory_space<hbm>> -> memref<1x64xf32, #tpu.memory_space<hbm>>
      %dma_start3A_260 = arith.constant 0 : i32
      %dma_start3A_261 = tpu.memref_slice %arg11[%add3A_255, %dma_start3A_260] : memref<512x64xf32, #tpu.memory_space<vmem>> -> memref<1x64xf32, #tpu.memory_space<vmem>>
      %dma_start3A_262 = arith.constant 0 : i32
      %dma_start3A_263 = tpu.memref_slice %arg5[%reduce_max3A_251, %dma_start3A_262] : memref<100000x100xf32, #tpu.memory_space<hbm>> -> memref<1x64xf32, #tpu.memory_space<hbm>>
      tpu.enqueue_dma source(%dma_start3A_263 : memref<1x64xf32, #tpu.memory_space<hbm>>) target(%dma_start3A_261 : memref<1x64xf32, #tpu.memory_space<vmem>>) target_semaphore(%arg13 : memref<!tpu.dma_semaphore, #tpu.memory_space<semaphore_mem>>)
      %eq3A_264 = arith.constant 9 : i32
      %eq3A_265 = vector.broadcast %eq3A_264 : i32 to vector<16xi32>
      %eq3A_266 = arith.cmpi eq, %iota3A_8, %eq3A_265 : vector<16xi32>
      %jit3A_267 = arith.constant 0 : i32
      %broadcast_in_dim3A_268 = vector.broadcast %jit3A_267 : i32 to vector<16xi32>
      %select_n3A_269 = arith.select %eq3A_266, %get3A_35, %broadcast_in_dim3A_268 : vector<16xi1>, vector<16xi32>
      %reduce_max3A_270 = arith.constant true
      %reduce_max3A_271 = vector.broadcast %reduce_max3A_270 : i1 to vector<16xi1>
      %reduce_max3A_272 = arith.constant -2147483648 : i32
      %reduce_max3A_273 = vector.broadcast %reduce_max3A_272 : i32 to vector<16xi32>
      %reduce_max3A_274 = arith.xori %select_n3A_269, %reduce_max3A_273 : vector<16xi32>
      %reduce_max3A_275 = tpu.scan <max>, %reduce_max3A_274 masked %reduce_max3A_271 : vector<16xi32>, vector<16xi1> -> vector<16xi32>
      %reduce_max3A_276 = arith.xori %reduce_max3A_275, %reduce_max3A_273 : vector<16xi32>
      %reduce_max3A_277 = vector.extract %reduce_max3A_276[15] : i32 from vector<16xi32>
      %mul3A_278 = arith.constant 16 : i32
      %mul3A_279 = arith.muli %scan3A_32, %mul3A_278 : i32
      %add3A_280 = arith.constant 9 : i32
      %add3A_281 = arith.addi %mul3A_279, %add3A_280 : i32
      %dma_start3A_282 = arith.constant 0 : i32
      %dma_start3A_283 = tpu.memref_slice %arg11[%add3A_281, %dma_start3A_282] : memref<512x64xf32, #tpu.memory_space<vmem>> -> memref<1x64xf32, #tpu.memory_space<vmem>>
      %dma_start3A_284 = arith.constant 0 : i32
      %dma_start3A_285 = tpu.memref_slice %arg5[%reduce_max3A_277, %dma_start3A_284] : memref<100000x100xf32, #tpu.memory_space<hbm>> -> memref<1x64xf32, #tpu.memory_space<hbm>>
      %dma_start3A_286 = arith.constant 0 : i32
      %dma_start3A_287 = tpu.memref_slice %arg11[%add3A_281, %dma_start3A_286] : memref<512x64xf32, #tpu.memory_space<vmem>> -> memref<1x64xf32, #tpu.memory_space<vmem>>
      %dma_start3A_288 = arith.constant 0 : i32
      %dma_start3A_289 = tpu.memref_slice %arg5[%reduce_max3A_277, %dma_start3A_288] : memref<100000x100xf32, #tpu.memory_space<hbm>> -> memref<1x64xf32, #tpu.memory_space<hbm>>
      tpu.enqueue_dma source(%dma_start3A_289 : memref<1x64xf32, #tpu.memory_space<hbm>>) target(%dma_start3A_287 : memref<1x64xf32, #tpu.memory_space<vmem>>) target_semaphore(%arg13 : memref<!tpu.dma_semaphore, #tpu.memory_space<semaphore_mem>>)
      %eq3A_290 = arith.constant 10 : i32
      %eq3A_291 = vector.broadcast %eq3A_290 : i32 to vector<16xi32>
      %eq3A_292 = arith.cmpi eq, %iota3A_8, %eq3A_291 : vector<16xi32>
      %jit3A_293 = arith.constant 0 : i32
      %broadcast_in_dim3A_294 = vector.broadcast %jit3A_293 : i32 to vector<16xi32>
      %select_n3A_295 = arith.select %eq3A_292, %get3A_35, %broadcast_in_dim3A_294 : vector<16xi1>, vector<16xi32>
      %reduce_max3A_296 = arith.constant true
      %reduce_max3A_297 = vector.broadcast %reduce_max3A_296 : i1 to vector<16xi1>
      %reduce_max3A_298 = arith.constant -2147483648 : i32
      %reduce_max3A_299 = vector.broadcast %reduce_max3A_298 : i32 to vector<16xi32>
      %reduce_max3A_300 = arith.xori %select_n3A_295, %reduce_max3A_299 : vector<16xi32>
      %reduce_max3A_301 = tpu.scan <max>, %reduce_max3A_300 masked %reduce_max3A_297 : vector<16xi32>, vector<16xi1> -> vector<16xi32>
      %reduce_max3A_302 = arith.xori %reduce_max3A_301, %reduce_max3A_299 : vector<16xi32>
      %reduce_max3A_303 = vector.extract %reduce_max3A_302[15] : i32 from vector<16xi32>
      %mul3A_304 = arith.constant 16 : i32
      %mul3A_305 = arith.muli %scan3A_32, %mul3A_304 : i32
      %add3A_306 = arith.constant 10 : i32
      %add3A_307 = arith.addi %mul3A_305, %add3A_306 : i32
      %dma_start3A_308 = arith.constant 0 : i32
      %dma_start3A_309 = tpu.memref_slice %arg11[%add3A_307, %dma_start3A_308] : memref<512x64xf32, #tpu.memory_space<vmem>> -> memref<1x64xf32, #tpu.memory_space<vmem>>
      %dma_start3A_310 = arith.constant 0 : i32
      %dma_start3A_311 = tpu.memref_slice %arg5[%reduce_max3A_303, %dma_start3A_310] : memref<100000x100xf32, #tpu.memory_space<hbm>> -> memref<1x64xf32, #tpu.memory_space<hbm>>
      %dma_start3A_312 = arith.constant 0 : i32
      %dma_start3A_313 = tpu.memref_slice %arg11[%add3A_307, %dma_start3A_312] : memref<512x64xf32, #tpu.memory_space<vmem>> -> memref<1x64xf32, #tpu.memory_space<vmem>>
      %dma_start3A_314 = arith.constant 0 : i32
      %dma_start3A_315 = tpu.memref_slice %arg5[%reduce_max3A_303, %dma_start3A_314] : memref<100000x100xf32, #tpu.memory_space<hbm>> -> memref<1x64xf32, #tpu.memory_space<hbm>>
      tpu.enqueue_dma source(%dma_start3A_315 : memref<1x64xf32, #tpu.memory_space<hbm>>) target(%dma_start3A_313 : memref<1x64xf32, #tpu.memory_space<vmem>>) target_semaphore(%arg13 : memref<!tpu.dma_semaphore, #tpu.memory_space<semaphore_mem>>)
      %eq3A_316 = arith.constant 11 : i32
      %eq3A_317 = vector.broadcast %eq3A_316 : i32 to vector<16xi32>
      %eq3A_318 = arith.cmpi eq, %iota3A_8, %eq3A_317 : vector<16xi32>
      %jit3A_319 = arith.constant 0 : i32
      %broadcast_in_dim3A_320 = vector.broadcast %jit3A_319 : i32 to vector<16xi32>
      %select_n3A_321 = arith.select %eq3A_318, %get3A_35, %broadcast_in_dim3A_320 : vector<16xi1>, vector<16xi32>
      %reduce_max3A_322 = arith.constant true
      %reduce_max3A_323 = vector.broadcast %reduce_max3A_322 : i1 to vector<16xi1>
      %reduce_max3A_324 = arith.constant -2147483648 : i32
      %reduce_max3A_325 = vector.broadcast %reduce_max3A_324 : i32 to vector<16xi32>
      %reduce_max3A_326 = arith.xori %select_n3A_321, %reduce_max3A_325 : vector<16xi32>
      %reduce_max3A_327 = tpu.scan <max>, %reduce_max3A_326 masked %reduce_max3A_323 : vector<16xi32>, vector<16xi1> -> vector<16xi32>
      %reduce_max3A_328 = arith.xori %reduce_max3A_327, %reduce_max3A_325 : vector<16xi32>
      %reduce_max3A_329 = vector.extract %reduce_max3A_328[15] : i32 from vector<16xi32>
      %mul3A_330 = arith.constant 16 : i32
      %mul3A_331 = arith.muli %scan3A_32, %mul3A_330 : i32
      %add3A_332 = arith.constant 11 : i32
      %add3A_333 = arith.addi %mul3A_331, %add3A_332 : i32
      %dma_start3A_334 = arith.constant 0 : i32
      %dma_start3A_335 = tpu.memref_slice %arg11[%add3A_333, %dma_start3A_334] : memref<512x64xf32, #tpu.memory_space<vmem>> -> memref<1x64xf32, #tpu.memory_space<vmem>>
      %dma_start3A_336 = arith.constant 0 : i32
      %dma_start3A_337 = tpu.memref_slice %arg5[%reduce_max3A_329, %dma_start3A_336] : memref<100000x100xf32, #tpu.memory_space<hbm>> -> memref<1x64xf32, #tpu.memory_space<hbm>>
      %dma_start3A_338 = arith.constant 0 : i32
      %dma_start3A_339 = tpu.memref_slice %arg11[%add3A_333, %dma_start3A_338] : memref<512x64xf32, #tpu.memory_space<vmem>> -> memref<1x64xf32, #tpu.memory_space<vmem>>
      %dma_start3A_340 = arith.constant 0 : i32
      %dma_start3A_341 = tpu.memref_slice %arg5[%reduce_max3A_329, %dma_start3A_340] : memref<100000x100xf32, #tpu.memory_space<hbm>> -> memref<1x64xf32, #tpu.memory_space<hbm>>
      tpu.enqueue_dma source(%dma_start3A_341 : memref<1x64xf32, #tpu.memory_space<hbm>>) target(%dma_start3A_339 : memref<1x64xf32, #tpu.memory_space<vmem>>) target_semaphore(%arg13 : memref<!tpu.dma_semaphore, #tpu.memory_space<semaphore_mem>>)
      %eq3A_342 = arith.constant 12 : i32
      %eq3A_343 = vector.broadcast %eq3A_342 : i32 to vector<16xi32>
      %eq3A_344 = arith.cmpi eq, %iota3A_8, %eq3A_343 : vector<16xi32>
      %jit3A_345 = arith.constant 0 : i32
      %broadcast_in_dim3A_346 = vector.broadcast %jit3A_345 : i32 to vector<16xi32>
      %select_n3A_347 = arith.select %eq3A_344, %get3A_35, %broadcast_in_dim3A_346 : vector<16xi1>, vector<16xi32>
      %reduce_max3A_348 = arith.constant true
      %reduce_max3A_349 = vector.broadcast %reduce_max3A_348 : i1 to vector<16xi1>
      %reduce_max3A_350 = arith.constant -2147483648 : i32
      %reduce_max3A_351 = vector.broadcast %reduce_max3A_350 : i32 to vector<16xi32>
      %reduce_max3A_352 = arith.xori %select_n3A_347, %reduce_max3A_351 : vector<16xi32>
      %reduce_max3A_353 = tpu.scan <max>, %reduce_max3A_352 masked %reduce_max3A_349 : vector<16xi32>, vector<16xi1> -> vector<16xi32>
      %reduce_max3A_354 = arith.xori %reduce_max3A_353, %reduce_max3A_351 : vector<16xi32>
      %reduce_max3A_355 = vector.extract %reduce_max3A_354[15] : i32 from vector<16xi32>
      %mul3A_356 = arith.constant 16 : i32
      %mul3A_357 = arith.muli %scan3A_32, %mul3A_356 : i32
      %add3A_358 = arith.constant 12 : i32
      %add3A_359 = arith.addi %mul3A_357, %add3A_358 : i32
      %dma_start3A_360 = arith.constant 0 : i32
      %dma_start3A_361 = tpu.memref_slice %arg11[%add3A_359, %dma_start3A_360] : memref<512x64xf32, #tpu.memory_space<vmem>> -> memref<1x64xf32, #tpu.memory_space<vmem>>
      %dma_start3A_362 = arith.constant 0 : i32
      %dma_start3A_363 = tpu.memref_slice %arg5[%reduce_max3A_355, %dma_start3A_362] : memref<100000x100xf32, #tpu.memory_space<hbm>> -> memref<1x64xf32, #tpu.memory_space<hbm>>
      %dma_start3A_364 = arith.constant 0 : i32
      %dma_start3A_365 = tpu.memref_slice %arg11[%add3A_359, %dma_start3A_364] : memref<512x64xf32, #tpu.memory_space<vmem>> -> memref<1x64xf32, #tpu.memory_space<vmem>>
      %dma_start3A_366 = arith.constant 0 : i32
      %dma_start3A_367 = tpu.memref_slice %arg5[%reduce_max3A_355, %dma_start3A_366] : memref<100000x100xf32, #tpu.memory_space<hbm>> -> memref<1x64xf32, #tpu.memory_space<hbm>>
      tpu.enqueue_dma source(%dma_start3A_367 : memref<1x64xf32, #tpu.memory_space<hbm>>) target(%dma_start3A_365 : memref<1x64xf32, #tpu.memory_space<vmem>>) target_semaphore(%arg13 : memref<!tpu.dma_semaphore, #tpu.memory_space<semaphore_mem>>)
      %eq3A_368 = arith.constant 13 : i32
      %eq3A_369 = vector.broadcast %eq3A_368 : i32 to vector<16xi32>
      %eq3A_370 = arith.cmpi eq, %iota3A_8, %eq3A_369 : vector<16xi32>
      %jit3A_371 = arith.constant 0 : i32
      %broadcast_in_dim3A_372 = vector.broadcast %jit3A_371 : i32 to vector<16xi32>
      %select_n3A_373 = arith.select %eq3A_370, %get3A_35, %broadcast_in_dim3A_372 : vector<16xi1>, vector<16xi32>
      %reduce_max3A_374 = arith.constant true
      %reduce_max3A_375 = vector.broadcast %reduce_max3A_374 : i1 to vector<16xi1>
      %reduce_max3A_376 = arith.constant -2147483648 : i32
      %reduce_max3A_377 = vector.broadcast %reduce_max3A_376 : i32 to vector<16xi32>
      %reduce_max3A_378 = arith.xori %select_n3A_373, %reduce_max3A_377 : vector<16xi32>
      %reduce_max3A_379 = tpu.scan <max>, %reduce_max3A_378 masked %reduce_max3A_375 : vector<16xi32>, vector<16xi1> -> vector<16xi32>
      %reduce_max3A_380 = arith.xori %reduce_max3A_379, %reduce_max3A_377 : vector<16xi32>
      %reduce_max3A_381 = vector.extract %reduce_max3A_380[15] : i32 from vector<16xi32>
      %mul3A_382 = arith.constant 16 : i32
      %mul3A_383 = arith.muli %scan3A_32, %mul3A_382 : i32
      %add3A_384 = arith.constant 13 : i32
      %add3A_385 = arith.addi %mul3A_383, %add3A_384 : i32
      %dma_start3A_386 = arith.constant 0 : i32
      %dma_start3A_387 = tpu.memref_slice %arg11[%add3A_385, %dma_start3A_386] : memref<512x64xf32, #tpu.memory_space<vmem>> -> memref<1x64xf32, #tpu.memory_space<vmem>>
      %dma_start3A_388 = arith.constant 0 : i32
      %dma_start3A_389 = tpu.memref_slice %arg5[%reduce_max3A_381, %dma_start3A_388] : memref<100000x100xf32, #tpu.memory_space<hbm>> -> memref<1x64xf32, #tpu.memory_space<hbm>>
      %dma_start3A_390 = arith.constant 0 : i32
      %dma_start3A_391 = tpu.memref_slice %arg11[%add3A_385, %dma_start3A_390] : memref<512x64xf32, #tpu.memory_space<vmem>> -> memref<1x64xf32, #tpu.memory_space<vmem>>
      %dma_start3A_392 = arith.constant 0 : i32
      %dma_start3A_393 = tpu.memref_slice %arg5[%reduce_max3A_381, %dma_start3A_392] : memref<100000x100xf32, #tpu.memory_space<hbm>> -> memref<1x64xf32, #tpu.memory_space<hbm>>
      tpu.enqueue_dma source(%dma_start3A_393 : memref<1x64xf32, #tpu.memory_space<hbm>>) target(%dma_start3A_391 : memref<1x64xf32, #tpu.memory_space<vmem>>) target_semaphore(%arg13 : memref<!tpu.dma_semaphore, #tpu.memory_space<semaphore_mem>>)
      %eq3A_394 = arith.constant 14 : i32
      %eq3A_395 = vector.broadcast %eq3A_394 : i32 to vector<16xi32>
      %eq3A_396 = arith.cmpi eq, %iota3A_8, %eq3A_395 : vector<16xi32>
      %jit3A_397 = arith.constant 0 : i32
      %broadcast_in_dim3A_398 = vector.broadcast %jit3A_397 : i32 to vector<16xi32>
      %select_n3A_399 = arith.select %eq3A_396, %get3A_35, %broadcast_in_dim3A_398 : vector<16xi1>, vector<16xi32>
      %reduce_max3A_400 = arith.constant true
      %reduce_max3A_401 = vector.broadcast %reduce_max3A_400 : i1 to vector<16xi1>
      %reduce_max3A_402 = arith.constant -2147483648 : i32
      %reduce_max3A_403 = vector.broadcast %reduce_max3A_402 : i32 to vector<16xi32>
      %reduce_max3A_404 = arith.xori %select_n3A_399, %reduce_max3A_403 : vector<16xi32>
      %reduce_max3A_405 = tpu.scan <max>, %reduce_max3A_404 masked %reduce_max3A_401 : vector<16xi32>, vector<16xi1> -> vector<16xi32>
      %reduce_max3A_406 = arith.xori %reduce_max3A_405, %reduce_max3A_403 : vector<16xi32>
      %reduce_max3A_407 = vector.extract %reduce_max3A_406[15] : i32 from vector<16xi32>
      %mul3A_408 = arith.constant 16 : i32
      %mul3A_409 = arith.muli %scan3A_32, %mul3A_408 : i32
      %add3A_410 = arith.constant 14 : i32
      %add3A_411 = arith.addi %mul3A_409, %add3A_410 : i32
      %dma_start3A_412 = arith.constant 0 : i32
      %dma_start3A_413 = tpu.memref_slice %arg11[%add3A_411, %dma_start3A_412] : memref<512x64xf32, #tpu.memory_space<vmem>> -> memref<1x64xf32, #tpu.memory_space<vmem>>
      %dma_start3A_414 = arith.constant 0 : i32
      %dma_start3A_415 = tpu.memref_slice %arg5[%reduce_max3A_407, %dma_start3A_414] : memref<100000x100xf32, #tpu.memory_space<hbm>> -> memref<1x64xf32, #tpu.memory_space<hbm>>
      %dma_start3A_416 = arith.constant 0 : i32
      %dma_start3A_417 = tpu.memref_slice %arg11[%add3A_411, %dma_start3A_416] : memref<512x64xf32, #tpu.memory_space<vmem>> -> memref<1x64xf32, #tpu.memory_space<vmem>>
      %dma_start3A_418 = arith.constant 0 : i32
      %dma_start3A_419 = tpu.memref_slice %arg5[%reduce_max3A_407, %dma_start3A_418] : memref<100000x100xf32, #tpu.memory_space<hbm>> -> memref<1x64xf32, #tpu.memory_space<hbm>>
      tpu.enqueue_dma source(%dma_start3A_419 : memref<1x64xf32, #tpu.memory_space<hbm>>) target(%dma_start3A_417 : memref<1x64xf32, #tpu.memory_space<vmem>>) target_semaphore(%arg13 : memref<!tpu.dma_semaphore, #tpu.memory_space<semaphore_mem>>)
      %eq3A_420 = arith.constant 15 : i32
      %eq3A_421 = vector.broadcast %eq3A_420 : i32 to vector<16xi32>
      %eq3A_422 = arith.cmpi eq, %iota3A_8, %eq3A_421 : vector<16xi32>
      %jit3A_423 = arith.constant 0 : i32
      %broadcast_in_dim3A_424 = vector.broadcast %jit3A_423 : i32 to vector<16xi32>
      %select_n3A_425 = arith.select %eq3A_422, %get3A_35, %broadcast_in_dim3A_424 : vector<16xi1>, vector<16xi32>
      %reduce_max3A_426 = arith.constant true
      %reduce_max3A_427 = vector.broadcast %reduce_max3A_426 : i1 to vector<16xi1>
      %reduce_max3A_428 = arith.constant -2147483648 : i32
      %reduce_max3A_429 = vector.broadcast %reduce_max3A_428 : i32 to vector<16xi32>
      %reduce_max3A_430 = arith.xori %select_n3A_425, %reduce_max3A_429 : vector<16xi32>
      %reduce_max3A_431 = tpu.scan <max>, %reduce_max3A_430 masked %reduce_max3A_427 : vector<16xi32>, vector<16xi1> -> vector<16xi32>
      %reduce_max3A_432 = arith.xori %reduce_max3A_431, %reduce_max3A_429 : vector<16xi32>
      %reduce_max3A_433 = vector.extract %reduce_max3A_432[15] : i32 from vector<16xi32>
      %mul3A_434 = arith.constant 16 : i32
      %mul3A_435 = arith.muli %scan3A_32, %mul3A_434 : i32
      %add3A_436 = arith.constant 15 : i32
      %add3A_437 = arith.addi %mul3A_435, %add3A_436 : i32
      %dma_start3A_438 = arith.constant 0 : i32
      %dma_start3A_439 = tpu.memref_slice %arg11[%add3A_437, %dma_start3A_438] : memref<512x64xf32, #tpu.memory_space<vmem>> -> memref<1x64xf32, #tpu.memory_space<vmem>>
      %dma_start3A_440 = arith.constant 0 : i32
      %dma_start3A_441 = tpu.memref_slice %arg5[%reduce_max3A_433, %dma_start3A_440] : memref<100000x100xf32, #tpu.memory_space<hbm>> -> memref<1x64xf32, #tpu.memory_space<hbm>>
      %dma_start3A_442 = arith.constant 0 : i32
      %dma_start3A_443 = tpu.memref_slice %arg11[%add3A_437, %dma_start3A_442] : memref<512x64xf32, #tpu.memory_space<vmem>> -> memref<1x64xf32, #tpu.memory_space<vmem>>
      %dma_start3A_444 = arith.constant 0 : i32
      %dma_start3A_445 = tpu.memref_slice %arg5[%reduce_max3A_433, %dma_start3A_444] : memref<100000x100xf32, #tpu.memory_space<hbm>> -> memref<1x64xf32, #tpu.memory_space<hbm>>
      tpu.enqueue_dma source(%dma_start3A_445 : memref<1x64xf32, #tpu.memory_space<hbm>>) target(%dma_start3A_443 : memref<1x64xf32, #tpu.memory_space<vmem>>) target_semaphore(%arg13 : memref<!tpu.dma_semaphore, #tpu.memory_space<semaphore_mem>>)
    }
    %scan3A_14 = arith.constant 32 : i32
    %dma_wait3A = arith.constant 0 : i32
    %dma_wait3A_15 = arith.constant 0 : i32
    %dma_wait3A_16 = tpu.memref_slice %arg4[%dma_wait3A, %dma_wait3A_15] : memref<1000000x100xf32, #tpu.memory_space<hbm>> -> memref<512x64xf32, #tpu.memory_space<hbm>>
    %dma_wait3A_17 = arith.constant 0 : i32
    %dma_wait3A_18 = arith.constant 0 : i32
    %dma_wait3A_19 = tpu.memref_slice %arg4[%dma_wait3A_17, %dma_wait3A_18] : memref<1000000x100xf32, #tpu.memory_space<hbm>> -> memref<512x64xf32, #tpu.memory_space<hbm>>
    tpu.wait_dma2 semaphore(%arg12 : memref<!tpu.dma_semaphore, #tpu.memory_space<semaphore_mem>>) src(%dma_wait3A_19 : memref<512x64xf32, #tpu.memory_space<hbm>>) dst(%arg10 : memref<512x64xf32, #tpu.memory_space<vmem>>)
    %dma_wait3A_20 = arith.constant 0 : i32
    %dma_wait3A_21 = arith.constant 0 : i32
    %dma_wait3A_22 = tpu.memref_slice %arg5[%dma_wait3A_20, %dma_wait3A_21] : memref<100000x100xf32, #tpu.memory_space<hbm>> -> memref<512x64xf32, #tpu.memory_space<hbm>>
    %dma_wait3A_23 = arith.constant 0 : i32
    %dma_wait3A_24 = arith.constant 0 : i32
    %dma_wait3A_25 = tpu.memref_slice %arg5[%dma_wait3A_23, %dma_wait3A_24] : memref<100000x100xf32, #tpu.memory_space<hbm>> -> memref<512x64xf32, #tpu.memory_space<hbm>>
    tpu.wait_dma2 semaphore(%arg13 : memref<!tpu.dma_semaphore, #tpu.memory_space<semaphore_mem>>) src(%dma_wait3A_25 : memref<512x64xf32, #tpu.memory_space<hbm>>) dst(%arg11 : memref<512x64xf32, #tpu.memory_space<vmem>>)
    %and3A = arith.constant 15 : i32
    %and3A_26 = arith.andi %add3A, %and3A : i32
    %mul3A_27 = arith.constant 512 : i32
    %mul3A_28 = arith.muli %and3A_26, %mul3A_27 : i32
    %shift_right_arithmetic3A = arith.constant 4 : i32
    %shift_right_arithmetic3A_29 = arith.shrsi %add3A, %shift_right_arithmetic3A : i32
    %mul3A_30 = arith.constant 64 : i32
    %mul3A_31 = arith.muli %shift_right_arithmetic3A_29, %mul3A_30 : i32
    "tpu.region"() ({
      %run_scoped3A = tpu.sem_alloc : memref<!tpu.dma_semaphore, #tpu.memory_space<semaphore_mem>>
      %dma_start3A = tpu.memref_slice %arg6[%mul3A_28, %mul3A_31] : memref<8192x128xf32, #tpu.memory_space<hbm>> -> memref<512x64xf32, #tpu.memory_space<hbm>>
      %dma_start3A_32 = tpu.memref_slice %arg6[%mul3A_28, %mul3A_31] : memref<8192x128xf32, #tpu.memory_space<hbm>> -> memref<512x64xf32, #tpu.memory_space<hbm>>
      tpu.enqueue_dma source(%arg10 : memref<512x64xf32, #tpu.memory_space<vmem>>) target(%dma_start3A_32 : memref<512x64xf32, #tpu.memory_space<hbm>>) target_semaphore(%run_scoped3A : memref<!tpu.dma_semaphore, #tpu.memory_space<semaphore_mem>>)
      %dma_wait3A_33 = tpu.memref_slice %arg6[%mul3A_28, %mul3A_31] : memref<8192x128xf32, #tpu.memory_space<hbm>> -> memref<512x64xf32, #tpu.memory_space<hbm>>
      %dma_wait3A_34 = tpu.memref_slice %arg6[%mul3A_28, %mul3A_31] : memref<8192x128xf32, #tpu.memory_space<hbm>> -> memref<512x64xf32, #tpu.memory_space<hbm>>
      tpu.wait_dma2 semaphore(%run_scoped3A : memref<!tpu.dma_semaphore, #tpu.memory_space<semaphore_mem>>) src(%arg10 : memref<512x64xf32, #tpu.memory_space<vmem>>) dst(%dma_wait3A_34 : memref<512x64xf32, #tpu.memory_space<hbm>>)
      tpu.yield
    }) : () -> ()
    "tpu.region"() ({
      %run_scoped3A = tpu.sem_alloc : memref<!tpu.dma_semaphore, #tpu.memory_space<semaphore_mem>>
      %dma_start3A = tpu.memref_slice %arg7[%mul3A_28, %mul3A_31] : memref<8192x128xf32, #tpu.memory_space<hbm>> -> memref<512x64xf32, #tpu.memory_space<hbm>>
      %dma_start3A_32 = tpu.memref_slice %arg7[%mul3A_28, %mul3A_31] : memref<8192x128xf32, #tpu.memory_space<hbm>> -> memref<512x64xf32, #tpu.memory_space<hbm>>
      tpu.enqueue_dma source(%arg11 : memref<512x64xf32, #tpu.memory_space<vmem>>) target(%dma_start3A_32 : memref<512x64xf32, #tpu.memory_space<hbm>>) target_semaphore(%run_scoped3A : memref<!tpu.dma_semaphore, #tpu.memory_space<semaphore_mem>>)
      %dma_wait3A_33 = tpu.memref_slice %arg7[%mul3A_28, %mul3A_31] : memref<8192x128xf32, #tpu.memory_space<hbm>> -> memref<512x64xf32, #tpu.memory_space<hbm>>
      %dma_wait3A_34 = tpu.memref_slice %arg7[%mul3A_28, %mul3A_31] : memref<8192x128xf32, #tpu.memory_space<hbm>> -> memref<512x64xf32, #tpu.memory_space<hbm>>
      tpu.wait_dma2 semaphore(%run_scoped3A : memref<!tpu.dma_semaphore, #tpu.memory_space<semaphore_mem>>) src(%arg11 : memref<512x64xf32, #tpu.memory_space<vmem>>) dst(%dma_wait3A_34 : memref<512x64xf32, #tpu.memory_space<hbm>>)
      tpu.yield
    }) : () -> ()
    return
  }
}

module attributes {stable_mosaic.version = 14 : i64} {
  func.func @_tc_body(%arg0: i32, %arg1: memref<64x64xf32, #tpu.memory_space<vmem>>, %arg2: memref<64x64xf32, #tpu.memory_space<vmem>>, %arg3: memref<1024x128xf32, #tpu.memory_space<vmem>>, %arg4: memref<1024x128xf32, #tpu.memory_space<vmem>>, %arg5: memref<2x1024xf32, #tpu.memory_space<vmem>>) attributes {dimension_semantics = [#tpu.dimension_semantics<arbitrary>], iteration_bounds = array<i64: 8>, scalar_prefetch = 0 : i64, scratch_operands = 0 : i64, tpu.core_type = #tpu.core_type<tc>, window_params = [{pipeline_mode = #tpu.pipeline_mode<synchronous>, transform_indices = @transform_0, window_bounds = array<i64: 64, 64>}, {pipeline_mode = #tpu.pipeline_mode<synchronous>, transform_indices = @transform_1, window_bounds = array<i64: 64, 64>}, {transform_indices = @transform_2, window_bounds = array<i64: 1024, 128>}, {transform_indices = @transform_3, window_bounds = array<i64: 1024, 128>}, {transform_indices = @transform_4, window_bounds = array<i64: 2, 1024>}]} {
    %get3A = arith.constant 0 : index
    %get3A_0 = arith.constant 0 : index
    %get3A_1 = vector.load %arg1[%get3A, %get3A_0] : memref<64x64xf32, #tpu.memory_space<vmem>>, vector<64x64xf32>
    %get3A_2 = arith.constant 0 : index
    %get3A_3 = arith.constant 0 : index
    %get3A_4 = vector.load %arg2[%get3A_2, %get3A_3] : memref<64x64xf32, #tpu.memory_space<vmem>>, vector<64x64xf32>
    %dot_general3A = arith.constant dense<0.000000e+00> : vector<64x64xf32>
    %dot_general3A_5 = tpu.matmul %get3A_1, %get3A_4, %dot_general3A {dimension_numbers = #tpu.dot_dimension_numbers<[1], [1], [0], [0], [0, 0, 1, 0], [], []>, transpose_lhs_hint = false} : vector<64x64xf32>, vector<64x64xf32>, vector<64x64xf32> -> vector<64x64xf32>
    %get3A_6 = arith.constant 0 : index
    %get3A_7 = arith.constant 0 : index
    %get3A_8 = vector.load %arg3[%get3A_6, %get3A_7] : memref<1024x128xf32, #tpu.memory_space<vmem>>, vector<1024x64xf32>
    %get3A_9 = arith.constant 0 : index
    %get3A_10 = arith.constant 0 : index
    %get3A_11 = vector.load %arg4[%get3A_9, %get3A_10] : memref<1024x128xf32, #tpu.memory_space<vmem>>, vector<1024x64xf32>
    %dot_general3A_12 = arith.constant dense<0.000000e+00> : vector<1024x64xf32>
    %dot_general3A_13 = tpu.matmul %get3A_8, %dot_general3A_5, %dot_general3A_12 {dimension_numbers = #tpu.dot_dimension_numbers<[1], [0], [0], [1], [0, 0, 1, 1], [], []>, transpose_lhs_hint = false} : vector<1024x64xf32>, vector<64x64xf32>, vector<1024x64xf32> -> vector<1024x64xf32>
    %mul3A = arith.mulf %dot_general3A_13, %get3A_11 : vector<1024x64xf32>
    %reduce_sum3A = arith.constant dense<0.000000e+00> : vector<1024xf32>
    %reduce_sum3A_14 = vector.multi_reduction <add>, %mul3A, %reduce_sum3A [1] : vector<1024x64xf32> to vector<1024xf32>
    %swap3A = arith.constant 0 : index
    %swap3A_15 = arith.constant 0 : index
    %swap3A_16 = vector.load %arg5[%swap3A, %swap3A_15] : memref<2x1024xf32, #tpu.memory_space<vmem>>, vector<1x1024xf32>
    %swap3A_17 = vector.shape_cast %swap3A_16 : vector<1x1024xf32> to vector<1024xf32>
    %swap3A_18 = vector.shape_cast %reduce_sum3A_14 : vector<1024xf32> to vector<1x1024xf32>
    tpu.vector_store %arg5[%swap3A, %swap3A_15], %swap3A_18 {strides = array<i32>} : memref<2x1024xf32, #tpu.memory_space<vmem>>, vector<1x1024xf32>,
    %get3A_19 = arith.constant 0 : index
    %get3A_20 = arith.constant 64 : index
    %get3A_21 = vector.load %arg3[%get3A_19, %get3A_20] : memref<1024x128xf32, #tpu.memory_space<vmem>>, vector<1024x64xf32>
    %get3A_22 = arith.constant 0 : index
    %get3A_23 = arith.constant 64 : index
    %get3A_24 = vector.load %arg4[%get3A_22, %get3A_23] : memref<1024x128xf32, #tpu.memory_space<vmem>>, vector<1024x64xf32>
    %dot_general3A_25 = arith.constant dense<0.000000e+00> : vector<1024x64xf32>
    %dot_general3A_26 = tpu.matmul %get3A_21, %dot_general3A_5, %dot_general3A_25 {dimension_numbers = #tpu.dot_dimension_numbers<[1], [0], [0], [1], [0, 0, 1, 1], [], []>, transpose_lhs_hint = false} : vector<1024x64xf32>, vector<64x64xf32>, vector<1024x64xf32> -> vector<1024x64xf32>
    %mul3A_27 = arith.mulf %dot_general3A_26, %get3A_24 : vector<1024x64xf32>
    %reduce_sum3A_28 = arith.constant dense<0.000000e+00> : vector<1024xf32>
    %reduce_sum3A_29 = vector.multi_reduction <add>, %mul3A_27, %reduce_sum3A_28 [1] : vector<1024x64xf32> to vector<1024xf32>
    %swap3A_30 = arith.constant 1 : index
    %swap3A_31 = arith.constant 0 : index
    %swap3A_32 = vector.load %arg5[%swap3A_30, %swap3A_31] : memref<2x1024xf32, #tpu.memory_space<vmem>>, vector<1x1024xf32>
    %swap3A_33 = vector.shape_cast %swap3A_32 : vector<1x1024xf32> to vector<1024xf32>
    %swap3A_34 = vector.shape_cast %reduce_sum3A_29 : vector<1024xf32> to vector<1x1024xf32>
    tpu.vector_store %arg5[%swap3A_30, %swap3A_31], %swap3A_34 {strides = array<i32>} : memref<2x1024xf32, #tpu.memory_space<vmem>>, vector<1x1024xf32>,
    return
  }
  func.func @transform_0(%arg0: i32) -> (i32, i32) {
    %c0_i32 = arith.constant 0 : i32
    %c0_i32_0 = arith.constant 0 : i32
    %c0_i32_1 = arith.constant 0 : i32
    return %c0_i32, %c0_i32_0 : i32, i32
  }
  func.func @transform_1(%arg0: i32) -> (i32, i32) {
    %c0_i32 = arith.constant 0 : i32
    %c0_i32_0 = arith.constant 0 : i32
    %c0_i32_1 = arith.constant 0 : i32
    return %c0_i32, %c0_i32_0 : i32, i32
  }
  func.func @transform_2(%arg0: i32) -> (i32, i32) {
    %c0_i32 = arith.constant 0 : i32
    %c0_i32_0 = arith.constant 0 : i32
    return %arg0, %c0_i32 : i32, i32
  }
  func.func @transform_3(%arg0: i32) -> (i32, i32) {
    %c0_i32 = arith.constant 0 : i32
    %c0_i32_0 = arith.constant 0 : i32
    return %arg0, %c0_i32 : i32, i32
  }
  func.func @transform_4(%arg0: i32) -> (i32, i32) {
    %c0_i32 = arith.constant 0 : i32
    %c0_i32_0 = arith.constant 0 : i32
    return %c0_i32, %arg0 : i32, i32
  }
}

</mosaic_0001>

<sc_bundles>
// kernel: kernel.4.cloned.1.call-start
scs
__scs_entry_jumppad:
0x0: {  	(pc) =	sbr.rel $0x88, $3  }
0x1: {  	(tag) =	ssettag $0x0;
	lr =	simm.s32 $0x1  }
0x2: {  	[smem:$0x3F9B] =	sst lr;
	_ =	strace $0xD0000000  }
0x3: {  	_ = 	snop  }
0x4: {  	_ = 	snop  }
0x5: {  	_ = 	snop  }
0x6: {  	_ = 	snop  }
0x7: {  	_ = 	snop  }
__scs_overlays_trampoline_lowered:
0x8: {  	[smem:$0x3FAA] =	sst s0  }
0x9: {  	[smem:$0x3FAB] =	sst s1  }
0xa: {  	[smem:$0x3FAC] =	sst s2  }
0xb: {  	[smem:$0x3FAD] =	sst s3  }
0xc: {  	[smem:$0x3FAE] =	sst s4  }
0xd: {  	[smem:$0x3FAF] =	sst s5  }
0xe: {  	[smem:$0x3FB0] =	sst s6  }
0xf: {  	[smem:$0x3FB1] =	sst s7  }
0x10: {  	[smem:$0x3FB2] =	sst s8  }
0x11: {  	[smem:$0x3FB3] =	sst s9;
	s0 =	simm.s32 @!p0 $0x0  }
0x12: {  	s1 =	sld [smem:$0x3F99];
	s0 =	simm.s32 @p0 $0x1  }
0x13: {  	[smem:$0x3FB4] =	sst s0;
	s0 =	simm.s32 @!p1 $0x0  }
0x14: {  	s2 =	sld [smem:$0x3F98];
	s0 =	simm.s32 @p1 $0x1  }
0x15: {  	[smem:$0x3FB5] =	sst s0;
	s0 =	simm.s32 @!p2 $0x0  }
0x16: {  	s3 =	sld [smem:$0x3FDB];
	s0 =	simm.s32 @p2 $0x1  }
0x17: {  	s4 =	simm.s32 $0x1BF5;
	[smem:$0x3FB7] =	sst s0  }
0x18: {  	s0 =	sld [smem:$0x3F9A];
	_ =	swait.ge [sflag:s4], $0x0  }
0x19: {  	s7 =	sld [smem:$0x3F9B]  }
0x1a: {  	s8 =	sadd.s32 $0xFFFFE003, lr  }
0x1b: {  	s9 =	sadd.s32 $0xFFFFFEF7, lr;
	s5 =	simm.s32 $0xFFFFFFFF;
	p2 =	slt.u32 s8, $0xFFFFF086  }
0x1c: {  	p1 =	slt.u32 s9, $0xF7A;
	s5 =	simm.s32 @!p2 $0x0  }
0x1d: {  	s5 =	simm.s32 @p1 $0x1;
	p0 =	seq.s32 s7, s2  }
0x1e: {  	s7 =	smul.u32 @!p0 $0xF7A, s2;
	p2 =	seq.s32 @!p0 s5, $0x0  }
0x1f: {  	s9 =	smul.u32 $0xF7A, s1;
	s8 =	simm.s32 @!p0 $0x1BF5;
	p2 =	por !p2, p0  }
0x20: {  	[sflag:s8] =	ssyncset.s32 @!p0 $0xFFFFF086;
	s6 =	sadd.s32 @!p0 s3, s7;
	s7 =	simm.s32 @!p0 $0x108  }
0x21: {  	s3 =	sadd.s32 s3, s9;
	s6 =	sadd.s32 @!p0 $0x88, s6;
	s7 =	simm.s32 @p2 $0x1082  }
0x22: {  	[simem:s7], [sflag:s8] =	dma.local @!p0 [hbm:s6], $0xF7A  }
0x23: {  	s9 =	sor.u32 $0xD0000000, s2;
	s6 =	simm.s32 $0x108;
	_ =	swait.ge @!p0 [sflag:s8], $0x0  }
0x24: {  	s3 =	sadd.s32 $0x88, s3;
	s6 =	simm.s32 @!p1 $0x1082;
	[sflag:s4] =	ssyncset.s32 $0xFFFFF086  }
0x25: {  	[simem:s6], [sflag:s4] =	dma.local [hbm:s3], $0xF7A  }
0x26: {  	[smem:$0x3F9B] =	sst s1;
	(tag) =	ssettag s2;
	_ =	strace s9  }
0x27: {  	s1 =	sld [smem:$0x3FAB]  }
0x28: {  	s2 =	sld [smem:$0x3FAC]  }
0x29: {  	s4 =	sld [smem:$0x3FAE]  }
0x2a: {  	p0 =	seq.s32 s5, $0x0;
	s5 =	sld [smem:$0x3FAF]  }
0x2b: {  	s6 =	sld [smem:$0x3FB0]  }
0x2c: {  	s7 =	sld [smem:$0x3FB1]  }
0x2d: {  	s3 =	simm.s32 $0x108;
	s8 =	sld [smem:$0x3FB2]  }
0x2e: {  	s3 =	simm.s32 @!p0 $0x1082;
	s9 =	sld [smem:$0x3FB3]  }
0x2f: {  	lr =	sadd.s32 s0, s3;
	s0 =	sld [smem:$0x3FAA]  }
0x30: {  	s3 =	sld [smem:$0x3FAD]  }
0x31: {  	[smem:$0x3FB6] =	sst s10  }
0x32: {  	s10 =	sld [smem:$0x3FB4];
	_ =	sdelay $0x3  }
0x33: {  	p0 =	seq.s32 s10, $0x1;
	s10 =	sld [smem:$0x3FB6];
	_ =	sdelay $0x3  }
0x34: {  	[smem:$0x3FB6] =	sst s10  }
0x35: {  	s10 =	sld [smem:$0x3FB5];
	_ =	sdelay $0x3  }
0x36: {  	p1 =	seq.s32 s10, $0x1;
	s10 =	sld [smem:$0x3FB6];
	_ =	sdelay $0x3  }
0x37: {  	[smem:$0x3FB6] =	sst s10  }
0x38: {  	s10 =	sld [smem:$0x3FB7]  }
0x39: {  	_ = 	snop;
	(pc) =	sbr.ind lr, $3  }
0x3a: {  	_ = 	snop  }
0x3b: {  	_ = 	snop  }
0x3c: {  	p2 =	seq.s32 s10, $0x1;
	s10 =	sld [smem:$0x3FB6]  }
0x3d: {  	_ =	shalt  }
0x3e: {  	_ =	shalt  }
0x3f: {  	_ =	shalt  }
0x40: {  	_ =	shalt  }
0x41: {  	_ =	shalt  }
0x42: {  	_ =	shalt  }
0x43: {  	_ =	shalt  }
0x44: {  	_ =	shalt  }
0x45: {  	_ =	shalt  }
0x46: {  	_ =	shalt  }
0x47: {  	_ =	shalt  }
0x48: {  	_ =	shalt  }
0x49: {  	_ =	shalt  }
0x4a: {  	_ =	shalt  }
0x4b: {  	_ =	shalt  }
0x4c: {  	_ =	shalt  }
0x4d: {  	_ =	shalt  }
0x4e: {  	_ =	shalt  }
0x4f: {  	_ =	shalt  }
0x50: {  	_ =	shalt  }
0x51: {  	_ =	shalt  }
0x52: {  	_ =	shalt  }
0x53: {  	_ =	shalt  }
0x54: {  	_ =	shalt  }
0x55: {  	_ =	shalt  }
0x56: {  	_ =	shalt  }
0x57: {  	_ =	shalt  }
0x58: {  	_ =	shalt  }
0x59: {  	_ =	shalt  }
0x5a: {  	_ =	shalt  }
0x5b: {  	_ =	shalt  }
0x5c: {  	_ =	shalt  }
0x5d: {  	_ =	shalt  }
0x5e: {  	_ =	shalt  }
0x5f: {  	_ =	shalt  }
0x60: {  	_ =	shalt  }
0x61: {  	_ =	shalt  }
0x62: {  	_ =	shalt  }
0x63: {  	_ =	shalt  }
0x64: {  	_ =	shalt  }
0x65: {  	_ =	shalt  }
0x66: {  	_ =	shalt  }
0x67: {  	_ =	shalt  }
0x68: {  	_ =	shalt  }
0x69: {  	_ =	shalt  }
0x6a: {  	_ =	shalt  }
0x6b: {  	_ =	shalt  }
0x6c: {  	_ =	shalt  }
0x6d: {  	_ =	shalt  }
0x6e: {  	_ =	shalt  }
0x6f: {  	_ =	shalt  }
0x70: {  	_ =	shalt  }
0x71: {  	_ =	shalt  }
0x72: {  	_ =	shalt  }
0x73: {  	_ =	shalt  }
0x74: {  	_ =	shalt  }
0x75: {  	_ =	shalt  }
0x76: {  	_ =	shalt  }
0x77: {  	_ =	shalt  }
0x78: {  	_ =	shalt  }
0x79: {  	_ =	shalt  }
0x7a: {  	_ =	shalt  }
0x7b: {  	_ =	shalt  }
0x7c: {  	_ =	shalt  }
0x7d: {  	_ =	shalt  }
0x7e: {  	_ =	shalt  }
0x7f: {  	_ =	shalt  }
0x80: {  	_ =	shalt  }
0x81: {  	_ =	shalt  }
0x82: {  	_ =	shalt  }
0x83: {  	_ =	shalt  }
0x84: {  	_ =	shalt  }
0x85: {  	_ =	shalt  }
0x86: {  	_ =	shalt  }
0x87: {  	_ =	shalt  }
.Lfunc_end0:
.L_simem_size_0:
called_computation_lowered:
.L_overlay_start_0:
0x88: {  	s2 =	sld [smem:$0x3FD9]  }
0x89: {  	s3 =	sld [smem:$0x3FFE];
	_ =	sdelay $0x1  }
0x8a: {  	s1 =	srdreg.scid  }
0x8b: {  	s0 =	sand.u32 $0x1, s1  }
0x8c: {  	s17 =	sshll.u32 s0, $0xA;
	s2 =	sadd.s32 s3, s2  }
0x8d: {  	s2 =	sadd.s32 s2, s17  }
0x8e: {  	[smem:$0x3FC2] =	sst s2  }
0x8f: {  	_ = 	snop  }
0x90: {  	s2 =	sld [smem:$0x3FC9]  }
0x91: {  	s18 =	sld [smem:$0x3FC8];
	(tm) =	ssettm $0x1  }
0x92: {  	s4 =	sld [smem:$0x3FFB];
	_ =	sdelay $0x3  }
0x93: {  	_ =	strace s4  }
0x94: {  	s4 =	sld [smem:$0x3FFC];
	_ =	sdelay $0x3  }
0x95: {  	_ =	strace s4  }
0x96: {  	s4 =	sld [smem:$0x3FFD];
	_ =	sdelay $0x3  }
0x97: {  	_ =	strace s4  }
0x98: {  	_ =	strace $0x8FFFFFFF  }
0x99: {  	s19 =	sld [smem:$0x3FDB];
	_ =	sdelay $0x1  }
0x9a: {  	s5 =	simm.s32 $_scs_section_size  }
0x9b: {  	s6 =	simm.s32 $_size__tile_overlayer_lowered;
	s7 =	simm.s32 $_tile_overlayer_lowered  }
0x9c: {  	s22 =	simm.s32 $0x1BFF;
	s21 =	sshll.u32 s7, $0x1;
	s4 =	sadd.s32 s5, s19  }
0x9d: {  	s8 =	simm.s32 $0x0;
	s20 =	sshll.u32 s6, $0x1;
	s6 =	sadd.s32 s21, s4  }
0x9e: {  	[timem:s8], [sflag:s22] =	dma.local [hbm:s6], s20  }
0x9f: {  	_ =	swait.ge [sflag:s22], s20  }
0xa0: {  	s5 =	ssub.s32 $0x0, s20;
	[sflag:s22] =	ssyncset.done $0x0  }
0xa1: {  	[sflag:s22] =	ssyncadd.s32 s5;
	_ =	sdelay $0x1  }
0xa2: {  	s23 =	simm.s32 $0x1B8B  }
0xa3: {  	_ =	swait.ge [sflag:s23], $0x1  }
0xa4: {  	[sflag:s23] =	ssyncset.done $0x0  }
0xa5: {  	s25 =	simm.s32 $0x1B8E;
	s24 =	sld [smem:$0x3FFE];
	[sflag:s23] =	ssyncadd.s32 $0xFFFFFFFF  }
0xa6: {  	s26 =	simm.s32 $execute0_lowered;
	[smem:$0x3FD2] =	sst s25  }
0xa7: {  	s6 =	sshll.u32 s26, $0x1;
	_ =	strace $0x80000046;
	[dreg:$0x1] =	wrdreg $0xFFFFFFFF  }
0xa8: {  	s28 =	simm.s32 $_size_execute0_lowered;
	s4 =	sadd.s32 s4, s6;
	[dreg:$0x0] =	wrdreg $0x0  }
0xa9: {  	s6 =	sshll.u32 s28, $0x1;
	[dreg:$0x2] =	wrdreg s4  }
0xaa: {  	[dreg:$0x3] =	wrdreg s6  }
0xab: {  	[dreg:$0x4] =	wrdreg $0xC0  }
0xac: {  	_ =	task [dreg:s8], $0x5FFFF  }
0xad: {  	[dreg:$0x1] =	wrdreg $0xFFFFFFFF  }
0xae: {  	[dreg:$0x0] =	wrdreg $0x60  }
0xaf: {  	[dreg:$0x2] =	wrdreg s2  }
0xb0: {  	[dreg:$0x3] =	wrdreg s18  }
0xb1: {  	[dreg:$0x4] =	wrdreg s24  }
0xb2: {  	[dreg:$0x5] =	wrdreg $0x9  }
0xb3: {  	_ =	task.clear_ibuf [dreg:s8], $0x6FFFF;
	_ =	strace $0x90000046  }
0xb4: {  	s29 =	simm.s32 $0x9;
	_ =	strace $0x80000048  }
0xb5: {  	_ =	swait.ge [sflag:s29], $0x1  }
0xb6: {  	[sflag:s29] =	ssyncadd.s32 $0xFFFFFFFF  }
0xb7: {  	_ =	strace $0x90000048  }
0xb8: {  	_ =	sfence  }
0xb9: {  	s30 =	sld [smem:$0x0];
	_ =	sdelay $0x2  }
0xba: {  	s31 =	sshll.u32 s1, $0xD;
	s1 =	sshrl.u32 s1, $0x2  }
0xbb: {  	s3 =	sand.u32 $0x4000, s31;
	s1 =	sadd.s32 s1, s30  }
0xbc: {  	s0 =	sor.u32 s3, s0;
	s1 =	sshll.u32 s1, $0x11  }
0xbd: {  	s0 =	sor.u32 s1, s0  }
0xbe: {  	s0 =	sadd.s32 $0x8F2B, s0  }
0xbf: {  	[sflag:s0] =	ssyncadd.remote.s32 $0x1  }
0xc0: {  	_ =	sfence.sel $0xFFFF  }
0xc1: {  	[dreg:$0x0] =	wrdreg $0xFFFFFFFF;
	(pc) =	sbr.abs _section_cstart, $3  }
0xc2: {  	[dreg:$0x1] =	wrdreg $0xFFFFFFFF  }
0xc3: {  	_ =	task.clear_ibuf [dreg:s8], $0x2FFFF;
	_ =	strace $0x9FFFFFFF  }
0xc4: {  	(tm) =	ssettm $0x7FFFFFFF  }
0xc5: {  	_ =	shalt  }
tec
execute0_lowered:
.L_overlay_start_1:
0x0: {  	(tag) =	ssettag $0x1  }
0x1: {  	s0 =	rddreg [dreg:$0x0]  }
0x2: {  	s1 =	rddreg [dreg:$0x1];
	s2 =	srdreg.scid  }
0x3: {  	s8 =	stileid.u32;
	s5 =	rddreg [dreg:$0x2]  }
0x4: {  	s6 =	sand.u32 $0x1, s2;
	s3 =	sshll.u32 s8, $0x1;
	s2 =	simm.s32 $0x0  }
0x5: {  	s7 =	sor.u32 s6, s3;
	[smem:$0x7FF] =	sst s2;
	s3 =	sadd.s32 $0x1000, s5  }
0x6: {  	s6 =	ssub.s32 $0x2, s6;
	s4 =	sshll.u32 s7, $0xD;
	_ =	strace $0x80000047  }
0x7: {  	s26 =	sshrl.u32 s6, $0x1;
	s7 =	sshll.u32 s7, $0x6;
	s8 =	sor.u32 s8, s4  }
0x8: {  	vm0 =	vmmov $0x1;
	s4 =	sadd.s32 $0xC66E00, s5;
	s6 =	ssub.s32 s6, s26;
	s0 =	sadd.s32 s0, s7  }
0x9: {  	vm1 =	vcmask $0x308;
	vm2 =	vcmask $0x70C;
	vm3 =	vcmask $0xB10;
	s29 =	sadd.s32 s1, s7;
	s8 =	sand.u32 $0x1E008, s8;
	[dreg:$0x4] =	wrdreg s0  }
0xa: {  	vm4 =	vcmask $0xF14;
	vm5 =	vcmask $0x1318;
	vm6 =	vcmask $0x171C;
	[dreg:$0x6] =	wrdreg s29;
	s31 =	smax.u32 s6, $0x1;
	s5 =	sadd.s32 s8, s5  }
0xb: {  	vm7 =	vcmask $0x1B20;
	vm8 =	vcmask $0x1F24;
	vm9 =	vcmask $0x2328;
	[dreg:$0x8] =	wrdreg s31;
	s28 =	sadd.s32 $0xDA4600, s5  }
0xc: {  	s10 =	simm.s32 $0x3;
	vm10 =	vcmask $0x272C;
	vm11 =	vcmask $0x2B30;
	vm12 =	vcmask $0x2F34;
	s30 =	sadd.s32 $0xDC4600, s5;
	[dreg:$0x5] =	wrdreg s28  }
0xd: {  	s13 =	simm.s32 $0x2;
	vm13 =	vcmask $0x3338;
	vm14 =	vcmask $0x373C;
	vm15 =	vmmov $0x7fff;
	s18 =	simm.s32 $0x0;
	[dreg:$0x7] =	wrdreg s30  }
.LBB2_1:
0xe: {  	s0 =	rddreg [dreg:$0x4]  }
0xf: {  	[tilespmem:s2], [sflag:$0x3] =	stream.linear.gather [hbm4b:s0+s2], $0x200, $0x38;
	[tilespmem:$0x10400] =	vst v63  }
0x10: {  	_ =	swait.ge [sflag:s10], $0x200  }
0x11: {  	[sflag:s10] =	ssyncset.done $0x0  }
0x12: {  	s1 =	simm.s32 $0x200;
	s15 =	rddreg [dreg:$0x6];
	[sflag:s10] =	ssyncadd.s32 $0xFFFFFE00  }
0x13: {  	[tilespmem:s1], [sflag:$0x3] =	stream.linear.gather [hbm4b:s15+s2], $0x200, $0x38;
	[tilespmem:$0x10400] =	vst v63  }
0x14: {  	_ =	swait.ge [sflag:s10], $0x200  }
0x15: {  	[sflag:s10] =	ssyncset.done $0x0  }
0x16: {  	[sflag:s10] =	ssyncadd.s32 $0xFFFFFE00  }
0x17: {  	v0 =	vld [tilespmem:s2+$0x0];
	_ =	sdelay $0x4  }
0x18: {  	v1 =	vsel vm6, $0x0, v0  }
0x19: {  	v2 =	vnsel vm0, $0x0, v0;
	v1 =	vxor.u32 $0x80000000, v1  }
0x1a: {  	v2 =	vxor.u32 $0x80000000, v2;
	(xrf0) =	vmax.scan.msk.u32 $0xffff, v1;
	v1 =	vsel vm9, $0x0, v0  }
0x1b: {  	(xrf0) =	vmax.scan.msk.u32 $0xffff, v2;
	v2 =	vsel vm8, $0x0, v0;
	v1 =	vxor.u32 $0x80000000, v1  }
0x1c: {  	v3 =	vsel vm1, $0x0, v0;
	v2 =	vxor.u32 $0x80000000, v2;
	(xrf0) =	vmax.scan.msk.u32 $0xffff, v1;
	v1 =	vsel vm4, $0x0, v0  }
0x1d: {  	v3 =	vxor.u32 $0x80000000, v3;
	(xrf0) =	vmax.scan.msk.u32 $0xffff, v2;
	v1 =	vxor.u32 $0x80000000, v1  }
0x1e: {  	(xrf0) =	vmax.scan.msk.u32 $0xffff, v3  }
0x1f: {  	(xrf0) =	vmax.scan.msk.u32 $0xffff, v1  }
0x20: {  	v1, _, _ =	vpop (xrf0)  }
0x21: {  	v2, _, _ =	vpop (xrf0);
	(v2sf) =	vpush v1, $0xF  }
0x22: {  	(v2sf) =	vpush v2, $0xF;
	v1, _, _ =	vpop (xrf0)  }
0x23: {  	v2, _, _ =	vpop (xrf0);
	(v2sf) =	vpush v1, $0xF;
	v1 =	vsel vm2, $0x0, v0  }
0x24: {  	v3, _, _ =	vpop (xrf0);
	(v2sf) =	vpush v2, $0xF;
	v1 =	vxor.u32 $0x80000000, v1;
	v2 =	vsel vm3, $0x0, v0  }
0x25: {  	v4 =	vsel vm5, $0x0, v0;
	(v2sf) =	vpush v3, $0xF;
	v3, _, _ =	vpop (xrf0);
	v2 =	vxor.u32 $0x80000000, v2;
	(xrf0) =	vmax.scan.msk.u32 $0xffff, v1  }
0x26: {  	v1 =	vxor.u32 $0x80000000, v4;
	(v2sf) =	vpush v3, $0xF;
	v3 =	vsel vm7, $0x0, v0;
	(xrf0) =	vmax.scan.msk.u32 $0xffff, v2  }
0x27: {  	v2 =	vxor.u32 $0x80000000, v3;
	v3 =	vsel vm10, $0x0, v0;
	(xrf0) =	vmax.scan.msk.u32 $0xffff, v1  }
0x28: {  	v1 =	vxor.u32 $0x80000000, v3;
	v3 =	vsel vm11, $0x0, v0;
	(xrf0) =	vmax.scan.msk.u32 $0xffff, v2  }
0x29: {  	v3 =	vxor.u32 $0x80000000, v3;
	(xrf0) =	vmax.scan.msk.u32 $0xffff, v1  }
0x2a: {  	v2 =	vsel vm12, $0x0, v0;
	(xrf0) =	vmax.scan.msk.u32 $0xffff, v3;
	v3 =	vsel vm14, $0x0, v0  }
0x2b: {  	v1 =	vxor.u32 $0x80000000, v2;
	v2 =	vsel vm13, $0x0, v0  }
0x2c: {  	v2 =	vxor.u32 $0x80000000, v2;
	v62, _, _ =	vpop (xrf0)  }
0x2d: {  	(xrf0) =	vmax.scan.msk.u32 $0xffff, v1;
	v1 =	vxor.u32 $0x80000000, v3;
	(v2sf) =	vpush v62, $0xF;
	v3, _, _ =	vpop (xrf0)  }
0x2e: {  	(v2sf) =	vpush v3, $0xF  }
0x2f: {  	v0 =	vsel vm15, $0x0, v0;
	(xrf0) =	vmax.scan.msk.u32 $0xffff, v2;
	v2, _, _ =	vpop (xrf0)  }
0x30: {  	s20 =	simm.s32 $0x1000;
	s19 =	simm.s32 $0x0;
	v0 =	vxor.u32 $0x80000000, v0;
	(xrf0) =	vmax.scan.msk.u32 $0xffff, v1;
	v1, _, _ =	vpop (xrf0);
	(v2sf) =	vpush v2, $0xF  }
0x31: {  	s23 =	simm.s32 $0x4C0;
	s26 =	simm.s32 $0x480;
	s16 =	spop (v2sf);
	(v2sf) =	vpush v1, $0xF  }
0x32: {  	s30 =	simm.s32 $0x440;
	s11 =	simm.s32 $0x400;
	s22 =	simm.s32 $0x5C0  }
0x33: {  	s24 =	simm.s32 $0x580;
	s29 =	simm.s32 $0x540;
	s21 =	simm.s32 $0x10;
	(xrf0) =	vmax.scan.msk.u32 $0xffff, v0;
	v0, _, _ =	vpop (xrf0)  }
0x34: {  	s28 =	simm.s32 $0x6C0;
	s5 =	smul.u32 $0x68, s16;
	s17 =	spop (v2sf);
	(v2sf) =	vpush v0, $0xF  }
0x35: {  	s31 =	simm.s32 $0x680;
	s0 =	simm.s32 $0x640;
	v3, _, _ =	vpop (xrf0);
	s6 =	smul.u32 $0x68, s17  }
0x36: {  	s1 =	simm.s32 $0x500;
	v63, _, _ =	vpop (xrf0);
	s7 =	spop (v2sf);
	s16 =	sshrl.u32 s5, $0x3  }
0x37: {  	(v2sf) =	vpush v3, $0xF;
	v2, _, _ =	vpop (xrf0);
	s5 =	smul.u32 $0x68, s7;
	s25 =	spop (v2sf);
	s6 =	sshrl.u32 s6, $0x3  }
0x38: {  	v1, _, _ =	vpop (xrf0);
	s17 =	smul.u32 $0x68, s25;
	s8 =	spop (v2sf);
	s25 =	simm.s32 $0x0  }
0x39: {  	(v2sf) =	vpush v63, $0xF;
	s7 =	sadd.s32 s3, s6;
	v0, _, _ =	vpop (xrf0);
	s8 =	smul.u32 $0x68, s8;
	s6 =	spop (v2sf)  }
.LBB2_2:
0x3a: {  	[tilespmem:s11], [sflag:$0x1] =	stream.linear.gather [hbm4b:s7+s25], $0x40, $0x38;
	[tilespmem:$0x10400] =	vst v63  }
0x3b: {  	s11 =	smov.u32 s20  }
0x3c: {  	s5 =	sshrl.u32 s5, $0x3;
	s7 =	sshrl.u32 s8, $0x3;
	s8 =	spop (v2sf)  }
0x3d: {  	s7 =	sadd.s32 s3, s7;
	s8 =	smul.u32 $0x68, s8;
	s14 =	spop (v2sf)  }
0x3e: {  	[tilespmem:s30], [sflag:$0x1] =	stream.linear.gather [hbm4b:s7+s25], $0x40, $0x38;
	[tilespmem:$0x10400] =	vst v63  }
0x3f: {  	s7 =	sshrl.u32 s8, $0x3;
	s8 =	smul.u32 $0x68, s14;
	s14 =	spop (v2sf);
	(v2sf) =	vpush v2, $0xF  }
0x40: {  	s6 =	smul.u32 $0x68, s6;
	s7 =	sadd.s32 s3, s7;
	s30 =	spop (v2sf)  }
0x41: {  	[tilespmem:s26], [sflag:$0x1] =	stream.linear.gather [hbm4b:s7+s25], $0x40, $0x38;
	(v2sf) =	vpush v1, $0xF;
	[tilespmem:$0x10400] =	vst v63  }
0x42: {  	s6 =	sshrl.u32 s6, $0x3;
	s7 =	sshrl.u32 s8, $0x3;
	s8 =	smul.u32 $0x68, s14  }
0x43: {  	s14 =	smul.u32 $0x68, s30;
	s7 =	sadd.s32 s3, s7;
	s26 =	spop (v2sf)  }
0x44: {  	s6 =	sadd.s32 s3, s6;
	s8 =	sshrl.u32 s8, $0x3;
	s26 =	smul.u32 $0x68, s26  }
0x45: {  	[tilespmem:s23], [sflag:$0x1] =	stream.linear.gather [hbm4b:s7+s25], $0x40, $0x38;
	(v2sf) =	vpush v0, $0xF;
	[tilespmem:$0x10400] =	vst v63  }
0x46: {  	s7 =	sshrl.u32 s14, $0x3;
	s14 =	sshrl.u32 s26, $0x3;
	s23 =	spop (v2sf)  }
0x47: {  	[tilespmem:s1], [sflag:$0x1] =	stream.linear.gather [hbm4b:s6+s25], $0x40, $0x38;
	[tilespmem:$0x10400] =	vst v63  }
0x48: {  	s1 =	sadd.s32 s3, s8;
	s6 =	smul.u32 $0x68, s23;
	s8 =	spop (v2sf)  }
0x49: {  	[tilespmem:s29], [sflag:$0x1] =	stream.linear.gather [hbm4b:s1+s25], $0x40, $0x38;
	[tilespmem:$0x10400] =	vst v63  }
0x4a: {  	s1 =	sadd.s32 s3, s16;
	s6 =	sshrl.u32 s6, $0x3;
	s8 =	smul.u32 $0x68, s8  }
0x4b: {  	[tilespmem:s24], [sflag:$0x1] =	stream.linear.gather [hbm4b:s1+s25], $0x40, $0x38;
	[tilespmem:$0x10400] =	vst v63  }
0x4c: {  	s1 =	sadd.s32 s3, s7;
	s7 =	sshrl.u32 s17, $0x3;
	s8 =	sshrl.u32 s8, $0x3  }
0x4d: {  	[tilespmem:s22], [sflag:$0x1] =	stream.linear.gather [hbm4b:s1+s25], $0x40, $0x38;
	[tilespmem:$0x10400] =	vst v63  }
0x4e: {  	s7 =	sadd.s32 s3, s7;
	s1 =	sadd.s32 $0x600, s19;
	s16 =	spop (v2sf)  }
0x4f: {  	[tilespmem:s1], [sflag:$0x1] =	stream.linear.gather [hbm4b:s7+s25], $0x40, $0x38;
	[tilespmem:$0x10400] =	vst v63  }
0x50: {  	s1 =	sadd.s32 s3, s5;
	s5 =	smul.u32 $0x68, s16;
	s7 =	spop (v2sf)  }
0x51: {  	[tilespmem:s0], [sflag:$0x1] =	stream.linear.gather [hbm4b:s1+s25], $0x40, $0x38;
	[tilespmem:$0x10400] =	vst v63  }
0x52: {  	s0 =	sadd.s32 s3, s14;
	s1 =	sshrl.u32 s5, $0x3;
	s5 =	smul.u32 $0x68, s7  }
0x53: {  	[tilespmem:s31], [sflag:$0x1] =	stream.linear.gather [hbm4b:s0+s25], $0x40, $0x38;
	[tilespmem:$0x10400] =	vst v63  }
0x54: {  	s0 =	sadd.s32 s3, s6;
	s5 =	sshrl.u32 s5, $0x3;
	s6 =	spop (v2sf)  }
0x55: {  	[tilespmem:s28], [sflag:$0x1] =	stream.linear.gather [hbm4b:s0+s25], $0x40, $0x38;
	[tilespmem:$0x10400] =	vst v63  }
0x56: {  	s7 =	sadd.s32 s3, s8;
	s0 =	sadd.s32 $0x700, s19;
	s6 =	smul.u32 $0x68, s6  }
0x57: {  	[tilespmem:s0], [sflag:$0x1] =	stream.linear.gather [hbm4b:s7+s25], $0x40, $0x38;
	[tilespmem:$0x10400] =	vst v63  }
0x58: {  	s1 =	sadd.s32 s3, s1;
	s0 =	sadd.s32 $0x740, s19;
	s6 =	sshrl.u32 s6, $0x3  }
0x59: {  	[tilespmem:s0], [sflag:$0x1] =	stream.linear.gather [hbm4b:s1+s25], $0x40, $0x38;
	[tilespmem:$0x10400] =	vst v63  }
0x5a: {  	p0 =	sne.s32 s20, $0x1F000;
	s0 =	sadd.s32 $0x780, s19;
	s1 =	sadd.s32 s3, s5  }
0x5b: {  	[tilespmem:s0], [sflag:$0x1] =	stream.linear.gather [hbm4b:s1+s25], $0x40, $0x38;
	[tilespmem:$0x10400] =	vst v63  }
0x5c: {  	s20 =	sadd.s32 $0x1000, s20;
	s0 =	sadd.s32 $0x7C0, s19;
	s1 =	sadd.s32 s3, s6  }
0x5d: {  	[tilespmem:s0], [sflag:$0x1] =	stream.linear.gather [hbm4b:s1+s25], $0x40, $0x38;
	[tilespmem:$0x10400] =	vst v63  }
0x5e: {  	v0 =	vld [tilespmem:s21+$0x0];
	_ =	sdelay $0x3  }
0x5f: {  	s19 =	sshra.s32 s11, $0x2  }
0x60: {  	s23 =	sadd.s32 $0x4C0, s19;
	v1 =	vnsel vm0, $0x0, v0;
	v2 =	vsel vm5, $0x0, v0;
	v3 =	vsel vm6, $0x0, v0  }
0x61: {  	s26 =	sadd.s32 $0x480, s19;
	v4 =	vsel vm9, $0x0, v0;
	v1 =	vxor.u32 $0x80000000, v1;
	v3 =	vxor.u32 $0x80000000, v3  }
0x62: {  	v5 =	vsel vm2, $0x0, v0;
	v6 =	vsel vm8, $0x0, v0;
	v2 =	vxor.u32 $0x80000000, v2;
	(xrf0) =	vmax.scan.msk.u32 $0xffff, v3  }
0x63: {  	s30 =	sadd.s32 $0x440, s19;
	v5 =	vxor.u32 $0x80000000, v5;
	v4 =	vxor.u32 $0x80000000, v4;
	v3 =	vsel vm1, $0x0, v0;
	(xrf0) =	vmax.scan.msk.u32 $0xffff, v1  }
0x64: {  	v7 =	vsel vm4, $0x0, v0;
	v6 =	vxor.u32 $0x80000000, v6;
	v1 =	vsel vm3, $0x0, v0;
	(xrf0) =	vmax.scan.msk.u32 $0xffff, v4  }
0x65: {  	v3 =	vxor.u32 $0x80000000, v3;
	v1 =	vxor.u32 $0x80000000, v1;
	v4 =	vsel vm7, $0x0, v0;
	(xrf0) =	vmax.scan.msk.u32 $0xffff, v6  }
0x66: {  	s11 =	sadd.s32 $0x400, s19;
	v6 =	vxor.u32 $0x80000000, v7;
	v4 =	vxor.u32 $0x80000000, v4;
	v7 =	vsel vm10, $0x0, v0;
	(xrf0) =	vmax.scan.msk.u32 $0xffff, v3  }
0x67: {  	v8 =	vsel vm12, $0x0, v0;
	v3 =	vxor.u32 $0x80000000, v7;
	v7 =	vsel vm11, $0x0, v0;
	(xrf0) =	vmax.scan.msk.u32 $0xffff, v6  }
0x68: {  	s22 =	sadd.s32 $0x5C0, s19;
	v6 =	vxor.u32 $0x80000000, v7;
	v7 =	vxor.u32 $0x80000000, v8;
	v8 =	vsel vm13, $0x0, v0;
	(xrf0) =	vmax.scan.msk.u32 $0xffff, v5;
	v5, _, _ =	vpop (xrf0)  }
0x69: {  	s24 =	sadd.s32 $0x580, s19;
	v9 =	vsel vm14, $0x0, v0;
	v8 =	vxor.u32 $0x80000000, v8;
	v10, _, _ =	vpop (xrf0);
	(xrf0) =	vmax.scan.msk.u32 $0xffff, v1;
	(v2sf) =	vpush v5, $0xF  }
0x6a: {  	v0 =	vsel vm15, $0x0, v0;
	v1 =	vxor.u32 $0x80000000, v9;
	(v2sf) =	vpush v10, $0xF;
	(xrf0) =	vmax.scan.msk.u32 $0xffff, v2;
	v2, _, _ =	vpop (xrf0)  }
0x6b: {  	s29 =	sadd.s32 $0x540, s19;
	v0 =	vxor.u32 $0x80000000, v0;
	(xrf0) =	vmax.scan.msk.u32 $0xffff, v4;
	v4, _, _ =	vpop (xrf0);
	(v2sf) =	vpush v2, $0xF  }
0x6c: {  	s1 =	sadd.s32 $0x500, s19;
	v2, _, _ =	vpop (xrf0);
	(v2sf) =	vpush v4, $0xF;
	(xrf0) =	vmax.scan.msk.u32 $0xffff, v3  }
0x6d: {  	(v2sf) =	vpush v2, $0xF;
	v2, _, _ =	vpop (xrf0);
	(xrf0) =	vmax.scan.msk.u32 $0xffff, v6  }
0x6e: {  	v3, _, _ =	vpop (xrf0);
	(v2sf) =	vpush v2, $0xF;
	(xrf0) =	vmax.scan.msk.u32 $0xffff, v7  }
0x6f: {  	v2, _, _ =	vpop (xrf0);
	(xrf0) =	vmax.scan.msk.u32 $0xffff, v8  }
0x70: {  	(v2sf) =	vpush v3, $0xF;
	v3, _, _ =	vpop (xrf0);
	(xrf0) =	vmax.scan.msk.u32 $0xffff, v1  }
0x71: {  	(v2sf) =	vpush v2, $0xF;
	v1, _, _ =	vpop (xrf0);
	(xrf0) =	vmax.scan.msk.u32 $0xffff, v0  }
0x72: {  	v0, _, _ =	vpop (xrf0)  }
0x73: {  	(v2sf) =	vpush v3, $0xF;
	v3, _, _ =	vpop (xrf0)  }
0x74: {  	(v2sf) =	vpush v1, $0xF;
	v4, _, _ =	vpop (xrf0)  }
0x75: {  	v2, _, _ =	vpop (xrf0)  }
0x76: {  	v1, _, _ =	vpop (xrf0)  }
0x77: {  	s21 =	sadd.s32 $0x10, s21;
	(v2sf) =	vpush v0, $0xF;
	v0, _, _ =	vpop (xrf0)  }
0x78: {  	s0 =	spop (v2sf)  }
0x79: {  	s28 =	sadd.s32 $0x6C0, s19;
	s25 =	simm.s32 $0x0;
	s5 =	smul.u32 $0x68, s0  }
.Ltmp0:
0x7a: {  	s31 =	sadd.s32 $0x680, s19;
	s0 =	spop (v2sf);
	(pc) =	sbr.rel @p0 .LBB2_2-.Ltmp0, $4  }
0x7b: {  	s6 =	smul.u32 $0x68, s0;
	s0 =	sadd.s32 $0x640, s19;
	s7 =	spop (v2sf);
	(v2sf) =	vpush v3, $0xF  }
0x7c: {  	s16 =	sshrl.u32 s5, $0x3;
	s5 =	smul.u32 $0x68, s7;
	s7 =	spop (v2sf)  }
0x7d: {  	s6 =	sshrl.u32 s6, $0x3;
	s17 =	smul.u32 $0x68, s7;
	s8 =	spop (v2sf);
	(v2sf) =	vpush v4, $0xF  }
0x7e: {  	s7 =	sadd.s32 s3, s6;
	s8 =	smul.u32 $0x68, s8;
	s6 =	spop (v2sf)  }
0x7f: {  	[tilespmem:s11], [sflag:$0x1] =	stream.linear.gather [hbm4b:s7+s25], $0x40, $0x38;
	[tilespmem:$0x10400] =	vst v63  }
0x80: {  	s11 =	spop (v2sf);
	s6 =	smul.u32 $0x68, s6;
	s9 =	sshrl.u32 s8, $0x3  }
0x81: {  	s8 =	smul.u32 $0x68, s11;
	s7 =	sadd.s32 s3, s9  }
0x82: {  	[tilespmem:s30], [sflag:$0x1] =	stream.linear.gather [hbm4b:s7+s25], $0x40, $0x38;
	[tilespmem:$0x10400] =	vst v63  }
0x83: {  	s5 =	sshrl.u32 s5, $0x3;
	s12 =	spop (v2sf);
	s8 =	sshrl.u32 s8, $0x3  }
0x84: {  	s6 =	sshrl.u32 s6, $0x3;
	s7 =	smul.u32 $0x68, s12;
	s8 =	sadd.s32 s3, s8  }
0x85: {  	(v2sf) =	vpush v2, $0xF;
	[tilespmem:s26], [sflag:$0x1] =	stream.linear.gather [hbm4b:s8+s25], $0x40, $0x38;
	[tilespmem:$0x10400] =	vst v63  }
0x86: {  	s9 =	sshrl.u32 s17, $0x3;
	s14 =	spop (v2sf);
	s7 =	sshrl.u32 s7, $0x3  }
0x87: {  	(v2sf) =	vpush v1, $0xF;
	s6 =	sadd.s32 s3, s6;
	s15 =	spop (v2sf);
	s7 =	sadd.s32 s3, s7  }
0x88: {  	[tilespmem:s23], [sflag:$0x1] =	stream.linear.gather [hbm4b:s7+s25], $0x40, $0x38;
	[tilespmem:$0x10400] =	vst v63  }
0x89: {  	s30 =	sadd.s32 s3, s16;
	s7 =	smul.u32 $0x68, s14;
	s21 =	spop (v2sf)  }
0x8a: {  	[tilespmem:s1], [sflag:$0x1] =	stream.linear.gather [hbm4b:s6+s25], $0x40, $0x38;
	[tilespmem:$0x10400] =	vst v63  }
0x8b: {  	s12 =	sadd.s32 $0x600, s19;
	(v2sf) =	vpush v0, $0xF;
	s23 =	smul.u32 $0x68, s21;
	s20 =	sshrl.u32 s7, $0x3  }
0x8c: {  	s11 =	sadd.s32 s3, s9;
	s1 =	smul.u32 $0x68, s15;
	s6 =	sadd.s32 s3, s20  }
0x8d: {  	[tilespmem:s29], [sflag:$0x1] =	stream.linear.gather [hbm4b:s6+s25], $0x40, $0x38;
	[tilespmem:$0x10400] =	vst v63  }
0x8e: {  	s15 =	sadd.s32 s3, s5;
	s26 =	spop (v2sf);
	s1 =	sshrl.u32 s1, $0x3  }
0x8f: {  	[tilespmem:s24], [sflag:$0x1] =	stream.linear.gather [hbm4b:s30+s25], $0x40, $0x38;
	[tilespmem:$0x10400] =	vst v63  }
0x90: {  	s6 =	sshrl.u32 s23, $0x3;
	s7 =	smul.u32 $0x68, s26;
	s1 =	sadd.s32 s3, s1  }
0x91: {  	[tilespmem:s22], [sflag:$0x1] =	stream.linear.gather [hbm4b:s1+s25], $0x40, $0x38;
	[tilespmem:$0x10400] =	vst v63  }
0x92: {  	s21 =	sadd.s32 s3, s6;
	s29 =	spop (v2sf);
	s7 =	sshrl.u32 s7, $0x3  }
0x93: {  	[tilespmem:s12], [sflag:$0x1] =	stream.linear.gather [hbm4b:s11+s25], $0x40, $0x38;
	[tilespmem:$0x10400] =	vst v63  }
0x94: {  	s8 =	smul.u32 $0x68, s29;
	s29 =	sadd.s32 $0x700, s19;
	s14 =	spop (v2sf)  }
0x95: {  	[tilespmem:s0], [sflag:$0x1] =	stream.linear.gather [hbm4b:s15+s25], $0x40, $0x38;
	[tilespmem:$0x10400] =	vst v63  }
0x96: {  	s24 =	sadd.s32 s3, s7;
	s16 =	smul.u32 $0x68, s14;
	s17 =	spop (v2sf)  }
0x97: {  	[tilespmem:s31], [sflag:$0x1] =	stream.linear.gather [hbm4b:s21+s25], $0x40, $0x38;
	[tilespmem:$0x10400] =	vst v63  }
0x98: {  	s20 =	sshrl.u32 s8, $0x3;
	s23 =	sshrl.u32 s16, $0x3;
	s22 =	smul.u32 $0x68, s17  }
0x99: {  	[tilespmem:s28], [sflag:$0x1] =	stream.linear.gather [hbm4b:s24+s25], $0x40, $0x38;
	[tilespmem:$0x10400] =	vst v63  }
0x9a: {  	s26 =	spop (v2sf);
	s0 =	sadd.s32 s3, s20;
	s1 =	sadd.s32 s3, s23  }
0x9b: {  	[tilespmem:s29], [sflag:$0x1] =	stream.linear.gather [hbm4b:s0+s25], $0x40, $0x38;
	[tilespmem:$0x10400] =	vst v63  }
0x9c: {  	s30 =	smul.u32 $0x68, s26;
	s6 =	sshrl.u32 s22, $0x3;
	s31 =	sadd.s32 $0x740, s19  }
0x9d: {  	[tilespmem:s31], [sflag:$0x1] =	stream.linear.gather [hbm4b:s1+s25], $0x40, $0x38;
	[tilespmem:$0x10400] =	vst v63  }
0x9e: {  	s5 =	sadd.s32 $0x780, s19;
	s7 =	sadd.s32 s3, s6;
	s0 =	sshrl.u32 s30, $0x3  }
0x9f: {  	[tilespmem:s5], [sflag:$0x1] =	stream.linear.gather [hbm4b:s7+s25], $0x40, $0x38;
	[tilespmem:$0x10400] =	vst v63  }
0xa0: {  	s9 =	simm.s32 $0x200;
	s8 =	sadd.s32 $0x7C0, s19;
	s0 =	sadd.s32 s3, s0  }
0xa1: {  	[tilespmem:s8], [sflag:$0x1] =	stream.linear.gather [hbm4b:s0+s25], $0x40, $0x38;
	[tilespmem:$0x10400] =	vst v63  }
0xa2: {  	v30 =	vld [tilespmem:s9+$0x0];
	_ =	sdelay $0x4  }
0xa3: {  	v31 =	vsel vm4, $0x0, v30  }
0xa4: {  	v32 =	vsel vm3, $0x0, v30;
	v1 =	vxor.u32 $0x80000000, v31  }
0xa5: {  	v3 =	vsel vm2, $0x0, v30;
	v2 =	vxor.u32 $0x80000000, v32;
	(xrf0) =	vmax.scan.msk.u32 $0xffff, v1  }
0xa6: {  	v33 =	vsel vm1, $0x0, v30;
	v3 =	vxor.u32 $0x80000000, v3;
	(xrf0) =	vmax.scan.msk.u32 $0xffff, v2  }
0xa7: {  	v34 =	vnsel vm0, $0x0, v30;
	v1 =	vxor.u32 $0x80000000, v33;
	(xrf0) =	vmax.scan.msk.u32 $0xffff, v3  }
0xa8: {  	v2 =	vxor.u32 $0x80000000, v34;
	(xrf0) =	vmax.scan.msk.u32 $0xffff, v1  }
0xa9: {  	(xrf0) =	vmax.scan.msk.u32 $0xffff, v2;
	_ =	sdelay $0x1  }
0xaa: {  	v35, _, _ =	vpop (xrf0)  }
0xab: {  	v36, _, _ =	vpop (xrf0);
	(v2sf) =	vpush v35, $0xF  }
0xac: {  	v40 =	vsel vm7, $0x0, v30;
	v37, _, _ =	vpop (xrf0);
	(v2sf) =	vpush v36, $0xF  }
0xad: {  	v41 =	vsel vm6, $0x0, v30;
	v1 =	vxor.u32 $0x80000000, v40;
	(v2sf) =	vpush v37, $0xF;
	v38, _, _ =	vpop (xrf0)  }
0xae: {  	v42 =	vxor.u32 $0x80000000, v41;
	(xrf0) =	vmax.scan.msk.u32 $0xffff, v1;
	v39, _, _ =	vpop (xrf0);
	(v2sf) =	vpush v38, $0xF  }
0xaf: {  	(xrf0) =	vmax.scan.msk.u32 $0xffff, v42;
	(v2sf) =	vpush v39, $0xF;
	_ =	sdelay $0x1  }
0xb0: {  	v43 =	vsel vm5, $0x0, v30  }
0xb1: {  	v44 =	vxor.u32 $0x80000000, v43  }
0xb2: {  	(xrf0) =	vmax.scan.msk.u32 $0xffff, v44  }
0xb3: {  	v45 =	vsel vm8, $0x0, v30;
	v47, _, _ =	vpop (xrf0)  }
0xb4: {  	v1 =	vxor.u32 $0x80000000, v45;
	(v2sf) =	vpush v47, $0xF;
	v49, _, _ =	vpop (xrf0)  }
0xb5: {  	v46 =	vsel vm9, $0x0, v30;
	(xrf0) =	vmax.scan.msk.u32 $0xffff, v1;
	(v2sf) =	vpush v49, $0xF  }
0xb6: {  	v48 =	vsel vm10, $0x0, v30;
	v2 =	vxor.u32 $0x80000000, v46  }
0xb7: {  	v1 =	vxor.u32 $0x80000000, v48;
	(xrf0) =	vmax.scan.msk.u32 $0xffff, v2  }
0xb8: {  	v51 =	vsel vm11, $0x0, v30;
	(xrf0) =	vmax.scan.msk.u32 $0xffff, v1;
	v50, _, _ =	vpop (xrf0)  }
0xb9: {  	s12 =	simm.s32 $0x8440;
	s16 =	simm.s32 $0x8580;
	v52 =	vxor.u32 $0x80000000, v51;
	s11 =	spop (v2sf);
	(v2sf) =	vpush v50, $0xF  }
0xba: {  	s20 =	simm.s32 $0x210;
	s15 =	simm.s32 $0x8400;
	(xrf0) =	vmax.scan.msk.u32 $0xffff, v52;
	s14 =	spop (v2sf)  }
0xbb: {  	s23 =	simm.s32 $0x8700;
	s26 =	simm.s32 $0x84C0;
	v57 =	vsel vm12, $0x0, v30;
	v53, _, _ =	vpop (xrf0);
	s17 =	spop (v2sf)  }
0xbc: {  	s19 =	simm.s32 $0x1000;
	v1 =	vxor.u32 $0x80000000, v57;
	(v2sf) =	vpush v53, $0xF;
	s0 =	smul.u32 $0x68, s11;
	s24 =	spop (v2sf)  }
0xbd: {  	s21 =	simm.s32 $0x0;
	(xrf0) =	vmax.scan.msk.u32 $0xffff, v1;
	v54, _, _ =	vpop (xrf0);
	s1 =	smul.u32 $0x68, s14;
	s25 =	spop (v2sf)  }
0xbe: {  	s22 =	simm.s32 $0x8740;
	s30 =	simm.s32 $0x8540;
	v55, _, _ =	vpop (xrf0);
	(v2sf) =	vpush v54, $0xF;
	s7 =	smul.u32 $0x68, s25  }
0xbf: {  	s9 =	simm.s32 $0x8480;
	v58 =	vsel vm13, $0x0, v30;
	(v2sf) =	vpush v55, $0xF;
	s5 =	smul.u32 $0x68, s17;
	s0 =	sshrl.u32 s0, $0x3  }
0xc0: {  	v59 =	vxor.u32 $0x80000000, v58;
	v56, _, _ =	vpop (xrf0);
	s6 =	smul.u32 $0x68, s24;
	s24 =	simm.s32 $0x86C0;
	s7 =	sshrl.u32 s7, $0x3  }
0xc1: {  	(xrf0) =	vmax.scan.msk.u32 $0xffff, v59;
	(v2sf) =	vpush v56, $0xF;
	s1 =	sshrl.u32 s1, $0x3;
	s0 =	sadd.s32 s4, s0;
	s7 =	sadd.s32 s4, s7  }
0xc2: {  	v60 =	vsel vm14, $0x0, v30;
	[tilespmem:s15], [sflag:$0x2] =	stream.linear.gather [hbm4b:s7+s2], $0x40, $0x38;
	[tilespmem:$0x10400] =	vst v63  }
0xc3: {  	v2 =	vxor.u32 $0x80000000, v60;
	v61, _, _ =	vpop (xrf0);
	s25 =	simm.s32 $0x8680;
	s6 =	sshrl.u32 s6, $0x3;
	s29 =	spop (v2sf)  }
0xc4: {  	v0 =	vsel vm15, $0x0, v30;
	(xrf0) =	vmax.scan.msk.u32 $0xffff, v2;
	s5 =	sshrl.u32 s5, $0x3;
	s6 =	sadd.s32 s4, s6;
	s31 =	spop (v2sf);
	(v2sf) =	vpush v61, $0xF  }
0xc5: {  	v0 =	vxor.u32 $0x80000000, v0;
	[tilespmem:s12], [sflag:$0x2] =	stream.linear.gather [hbm4b:s6+s2], $0x40, $0x38;
	[tilespmem:$0x10400] =	vst v63  }
0xc6: {  	(xrf0) =	vmax.scan.msk.u32 $0xffff, v0;
	s1 =	sadd.s32 s4, s1;
	s5 =	sadd.s32 s4, s5;
	s7 =	smul.u32 $0x68, s29  }
0xc7: {  	v1, _, _ =	vpop (xrf0);
	[tilespmem:s9], [sflag:$0x2] =	stream.linear.gather [hbm4b:s5+s2], $0x40, $0x38;
	[tilespmem:$0x10400] =	vst v63  }
0xc8: {  	s12 =	simm.s32 $0x8500;
	s9 =	smul.u32 $0x68, s31;
	s11 =	spop (v2sf);
	(v2sf) =	vpush v1, $0xF  }
0xc9: {  	[tilespmem:s26], [sflag:$0x2] =	stream.linear.gather [hbm4b:s1+s2], $0x40, $0x38;
	[tilespmem:$0x10400] =	vst v63  }
0xca: {  	s28 =	sshrl.u32 s7, $0x3;
	s1 =	sshrl.u32 s9, $0x3;
	s8 =	smul.u32 $0x68, s11  }
0xcb: {  	v62, _, _ =	vpop (xrf0);
	s14 =	spop (v2sf);
	s29 =	sadd.s32 s4, s1;
	s1 =	simm.s32 $0x85C0  }
0xcc: {  	(v2sf) =	vpush v62, $0xF;
	[tilespmem:s12], [sflag:$0x2] =	stream.linear.gather [hbm4b:s0+s2], $0x40, $0x38;
	[tilespmem:$0x10400] =	vst v63  }
0xcd: {  	v63, _, _ =	vpop (xrf0);
	s15 =	spop (v2sf);
	s17 =	smul.u32 $0x68, s14;
	s8 =	sshrl.u32 s8, $0x3  }
0xce: {  	(v2sf) =	vpush v63, $0xF;
	s26 =	spop (v2sf);
	s5 =	smul.u32 $0x68, s15;
	s8 =	sadd.s32 s4, s8  }
0xcf: {  	[tilespmem:s30], [sflag:$0x2] =	stream.linear.gather [hbm4b:s8+s2], $0x40, $0x38;
	[tilespmem:$0x10400] =	vst v63  }
0xd0: {  	s0 =	simm.s32 $0x8640;
	s31 =	spop (v2sf);
	s30 =	smul.u32 $0x68, s26  }
0xd1: {  	[tilespmem:s16], [sflag:$0x2] =	stream.linear.gather [hbm4b:s29+s2], $0x40, $0x38;
	[tilespmem:$0x10400] =	vst v63  }
0xd2: {  	s6 =	smul.u32 $0x68, s31;
	s16 =	sshrl.u32 s17, $0x3;
	s11 =	sshrl.u32 s30, $0x3  }
.LBB2_4:
0xd3: {  	s7 =	sadd.s32 s4, s28;
	s8 =	sadd.s32 $0x8600, s21;
	s14 =	spop (v2sf)  }
0xd4: {  	[tilespmem:s1], [sflag:$0x2] =	stream.linear.gather [hbm4b:s7+s2], $0x40, $0x38;
	[tilespmem:$0x10400] =	vst v63  }
0xd5: {  	s5 =	sshrl.u32 s5, $0x3;
	s1 =	sadd.s32 s4, s16;
	s7 =	smul.u32 $0x68, s14  }
0xd6: {  	[tilespmem:s8], [sflag:$0x2] =	stream.linear.gather [hbm4b:s1+s2], $0x40, $0x38;
	[tilespmem:$0x10400] =	vst v63  }
0xd7: {  	s1 =	sadd.s32 s4, s5;
	s5 =	sshrl.u32 s7, $0x3;
	s7 =	spop (v2sf)  }
0xd8: {  	[tilespmem:s0], [sflag:$0x2] =	stream.linear.gather [hbm4b:s1+s2], $0x40, $0x38;
	[tilespmem:$0x10400] =	vst v63  }
0xd9: {  	s0 =	sadd.s32 s4, s11;
	s1 =	sshrl.u32 s6, $0x3;
	s6 =	smul.u32 $0x68, s7  }
0xda: {  	[tilespmem:s25], [sflag:$0x2] =	stream.linear.gather [hbm4b:s0+s2], $0x40, $0x38;
	[tilespmem:$0x10400] =	vst v63  }
0xdb: {  	s0 =	sadd.s32 s4, s1;
	s1 =	sshrl.u32 s6, $0x3;
	s6 =	spop (v2sf)  }
0xdc: {  	[tilespmem:s24], [sflag:$0x2] =	stream.linear.gather [hbm4b:s0+s2], $0x40, $0x38;
	[tilespmem:$0x10400] =	vst v63  }
0xdd: {  	s0 =	sadd.s32 s4, s5;
	s5 =	smul.u32 $0x68, s6;
	s6 =	spop (v2sf)  }
0xde: {  	[tilespmem:s23], [sflag:$0x2] =	stream.linear.gather [hbm4b:s0+s2], $0x40, $0x38;
	[tilespmem:$0x10400] =	vst v63  }
0xdf: {  	s0 =	sadd.s32 s4, s1;
	s1 =	sshrl.u32 s5, $0x3;
	s5 =	smul.u32 $0x68, s6  }
0xe0: {  	[tilespmem:s22], [sflag:$0x2] =	stream.linear.gather [hbm4b:s0+s2], $0x40, $0x38;
	[tilespmem:$0x10400] =	vst v63  }
0xe1: {  	s1 =	sadd.s32 s4, s1;
	s0 =	sadd.s32 $0x8780, s21;
	s5 =	sshrl.u32 s5, $0x3  }
0xe2: {  	[tilespmem:s0], [sflag:$0x2] =	stream.linear.gather [hbm4b:s1+s2], $0x40, $0x38;
	[tilespmem:$0x10400] =	vst v63  }
0xe3: {  	p0 =	sne.s32 s19, $0x1F000;
	s0 =	sadd.s32 $0x87C0, s21;
	s1 =	sadd.s32 s4, s5  }
0xe4: {  	[tilespmem:s0], [sflag:$0x2] =	stream.linear.gather [hbm4b:s1+s2], $0x40, $0x38;
	[tilespmem:$0x10400] =	vst v63  }
0xe5: {  	s0 =	smov.u32 s19;
	s19 =	sadd.s32 $0x1000, s19;
	v0 =	vld [tilespmem:s20+$0x0];
	_ =	sdelay $0x4  }
0xe6: {  	v1 =	vsel vm4, $0x0, v0;
	v2 =	vsel vm9, $0x0, v0;
	v3 =	vsel vm11, $0x0, v0  }
0xe7: {  	v4 =	vsel vm3, $0x0, v0;
	v5 =	vsel vm8, $0x0, v0;
	v1 =	vxor.u32 $0x80000000, v1  }
0xe8: {  	v6 =	vsel vm2, $0x0, v0;
	v7 =	vsel vm7, $0x0, v0;
	v4 =	vxor.u32 $0x80000000, v4;
	(xrf0) =	vmax.scan.msk.u32 $0xffff, v1  }
0xe9: {  	v8 =	vsel vm6, $0x0, v0;
	v6 =	vxor.u32 $0x80000000, v6;
	v1 =	vsel vm1, $0x0, v0;
	(xrf0) =	vmax.scan.msk.u32 $0xffff, v4  }
0xea: {  	v8 =	vxor.u32 $0x80000000, v8;
	v5 =	vxor.u32 $0x80000000, v5;
	v4 =	vnsel vm0, $0x0, v0;
	(xrf0) =	vmax.scan.msk.u32 $0xffff, v6  }
0xeb: {  	v2 =	vxor.u32 $0x80000000, v2;
	v1 =	vxor.u32 $0x80000000, v1;
	v6 =	vsel vm10, $0x0, v0  }
0xec: {  	v9 =	vsel vm5, $0x0, v0;
	v4 =	vxor.u32 $0x80000000, v4;
	v6 =	vxor.u32 $0x80000000, v6;
	(xrf0) =	vmax.scan.msk.u32 $0xffff, v1  }
0xed: {  	v13 =	vsel vm13, $0x0, v0;
	v1 =	vxor.u32 $0x80000000, v7;
	v7 =	vsel vm12, $0x0, v0;
	(xrf0) =	vmax.scan.msk.u32 $0xffff, v4  }
0xee: {  	v12 =	vsel vm14, $0x0, v0;
	v4 =	vxor.u32 $0x80000000, v7;
	v7 =	vxor.u32 $0x80000000, v13;
	v11, _, _ =	vpop (xrf0);
	(xrf0) =	vmax.scan.msk.u32 $0xffff, v1  }
0xef: {  	v1 =	vxor.u32 $0x80000000, v9;
	v9 =	vxor.u32 $0x80000000, v12;
	v10, _, _ =	vpop (xrf0);
	(v2sf) =	vpush v11, $0xF;
	(xrf0) =	vmax.scan.msk.u32 $0xffff, v8  }
0xf0: {  	v0 =	vsel vm15, $0x0, v0;
	v8, _, _ =	vpop (xrf0);
	(v2sf) =	vpush v10, $0xF;
	(xrf0) =	vmax.scan.msk.u32 $0xffff, v1  }
0xf1: {  	v0 =	vxor.u32 $0x80000000, v0;
	(v2sf) =	vpush v8, $0xF;
	(xrf0) =	vmax.scan.msk.u32 $0xffff, v5  }
0xf2: {  	v1, _, _ =	vpop (xrf0);
	(xrf0) =	vmax.scan.msk.u32 $0xffff, v2  }
0xf3: {  	v5 =	vxor.u32 $0x80000000, v3;
	v3, _, _ =	vpop (xrf0);
	(v2sf) =	vpush v1, $0xF;
	(xrf0) =	vmax.scan.msk.u32 $0xffff, v6  }
0xf4: {  	(v2sf) =	vpush v3, $0xF;
	v1, _, _ =	vpop (xrf0);
	(xrf0) =	vmax.scan.msk.u32 $0xffff, v5  }
0xf5: {  	v2, _, _ =	vpop (xrf0);
	(v2sf) =	vpush v1, $0xF;
	(xrf0) =	vmax.scan.msk.u32 $0xffff, v4  }
0xf6: {  	s21 =	sshra.s32 s0, $0x2;
	v1, _, _ =	vpop (xrf0);
	(v2sf) =	vpush v2, $0xF;
	(xrf0) =	vmax.scan.msk.u32 $0xffff, v7  }
0xf7: {  	s11 =	sadd.s32 $0x84C0, s21;
	(v2sf) =	vpush v1, $0xF;
	v1, _, _ =	vpop (xrf0);
	(xrf0) =	vmax.scan.msk.u32 $0xffff, v9  }
0xf8: {  	s16 =	sadd.s32 $0x8480, s21;
	(v2sf) =	vpush v1, $0xF;
	v1, _, _ =	vpop (xrf0);
	(xrf0) =	vmax.scan.msk.u32 $0xffff, v0  }
0xf9: {  	v0, _, _ =	vpop (xrf0)  }
0xfa: {  	s5 =	sadd.s32 $0x8440, s21;
	v2, _, _ =	vpop (xrf0)  }
0xfb: {  	v3, _, _ =	vpop (xrf0)  }
0xfc: {  	s20 =	sadd.s32 $0x10, s20;
	(v2sf) =	vpush v1, $0xF;
	v1, _, _ =	vpop (xrf0)  }
0xfd: {  	s6 =	sadd.s32 $0x8400, s21;
	s23 =	sadd.s32 $0x8700, s21;
	s22 =	sadd.s32 $0x8740, s21;
	v4, _, _ =	vpop (xrf0)  }
0xfe: {  	s25 =	sadd.s32 $0x8680, s21;
	s24 =	sadd.s32 $0x86C0, s21;
	s0 =	spop (v2sf);
	v5, _, _ =	vpop (xrf0)  }
0xff: {  	s17 =	sadd.s32 $0x8580, s21;
	s0 =	smul.u32 $0x68, s0;
	s1 =	spop (v2sf)  }
0x100: {  	s26 =	sadd.s32 $0x8540, s21;
	s7 =	smul.u32 $0x68, s1;
	s1 =	spop (v2sf);
	(v2sf) =	vpush v0, $0xF  }
0x101: {  	s8 =	smul.u32 $0x68, s1;
	s14 =	sshrl.u32 s0, $0x3;
	s1 =	sadd.s32 $0x85C0, s21  }
0x102: {  	s29 =	sadd.s32 $0x8500, s21;
	s7 =	sshrl.u32 s7, $0x3;
	s0 =	spop (v2sf);
	(v2sf) =	vpush v2, $0xF  }
0x103: {  	s28 =	smul.u32 $0x68, s0;
	s8 =	sshrl.u32 s8, $0x3;
	s0 =	spop (v2sf)  }
0x104: {  	s30 =	smul.u32 $0x68, s0;
	s0 =	sadd.s32 $0x8640, s21;
	s31 =	spop (v2sf)  }
0x105: {  	s28 =	sshrl.u32 s28, $0x3;
	s31 =	smul.u32 $0x68, s31;
	s9 =	spop (v2sf)  }
0x106: {  	s30 =	sshrl.u32 s30, $0x3;
	s9 =	smul.u32 $0x68, s9;
	s15 =	spop (v2sf);
	(v2sf) =	vpush v3, $0xF  }
0x107: {  	s30 =	sadd.s32 s4, s30;
	s15 =	smul.u32 $0x68, s15;
	s12 =	spop (v2sf)  }
0x108: {  	[tilespmem:s6], [sflag:$0x2] =	stream.linear.gather [hbm4b:s30+s2], $0x40, $0x38;
	[tilespmem:$0x10400] =	vst v63  }
0x109: {  	s6 =	sadd.s32 s4, s28;
	s9 =	sshrl.u32 s9, $0x3;
	s15 =	sshrl.u32 s15, $0x3  }
0x10a: {  	[tilespmem:s5], [sflag:$0x2] =	stream.linear.gather [hbm4b:s6+s2], $0x40, $0x38;
	(v2sf) =	vpush v1, $0xF;
	[tilespmem:$0x10400] =	vst v63  }
0x10b: {  	s5 =	sadd.s32 s4, s8;
	s6 =	smul.u32 $0x68, s12;
	s8 =	spop (v2sf)  }
0x10c: {  	[tilespmem:s16], [sflag:$0x2] =	stream.linear.gather [hbm4b:s5+s2], $0x40, $0x38;
	[tilespmem:$0x10400] =	vst v63  }
0x10d: {  	s7 =	sadd.s32 s4, s7;
	s16 =	sshrl.u32 s6, $0x3;
	s5 =	smul.u32 $0x68, s8  }
0x10e: {  	[tilespmem:s11], [sflag:$0x2] =	stream.linear.gather [hbm4b:s7+s2], $0x40, $0x38;
	(v2sf) =	vpush v4, $0xF;
	[tilespmem:$0x10400] =	vst v63  }
0x10f: {  	s28 =	sshrl.u32 s31, $0x3;
	s6 =	sadd.s32 s4, s14;
	s7 =	spop (v2sf)  }
0x110: {  	[tilespmem:s29], [sflag:$0x2] =	stream.linear.gather [hbm4b:s6+s2], $0x40, $0x38;
	[tilespmem:$0x10400] =	vst v63  }
.Ltmp1:
0x111: {  	(v2sf) =	vpush v5, $0xF;
	(pc) =	sbr.rel @p0 .LBB2_4-.Ltmp1, $4  }
0x112: {  	s6 =	sadd.s32 s4, s15;
	s7 =	smul.u32 $0x68, s7;
	s8 =	spop (v2sf)  }
0x113: {  	[tilespmem:s26], [sflag:$0x2] =	stream.linear.gather [hbm4b:s6+s2], $0x40, $0x38;
	[tilespmem:$0x10400] =	vst v63  }
0x114: {  	s9 =	sadd.s32 s4, s9;
	s11 =	sshrl.u32 s7, $0x3;
	s6 =	smul.u32 $0x68, s8  }
0x115: {  	[tilespmem:s17], [sflag:$0x2] =	stream.linear.gather [hbm4b:s9+s2], $0x40, $0x38;
	[tilespmem:$0x10400] =	vst v63  }
0x116: {  	s7 =	sadd.s32 s4, s28  }
0x117: {  	[tilespmem:s1], [sflag:$0x2] =	stream.linear.gather [hbm4b:s7+s2], $0x40, $0x38;
	[tilespmem:$0x10400] =	vst v63  }
0x118: {  	s8 =	sadd.s32 s4, s16;
	s9 =	sshrl.u32 s5, $0x3;
	s7 =	sadd.s32 $0x8600, s21  }
0x119: {  	[tilespmem:s7], [sflag:$0x2] =	stream.linear.gather [hbm4b:s8+s2], $0x40, $0x38;
	[tilespmem:$0x10400] =	vst v63  }
0x11a: {  	s12 =	spop (v2sf);
	s1 =	sadd.s32 s4, s9  }
0x11b: {  	[tilespmem:s0], [sflag:$0x2] =	stream.linear.gather [hbm4b:s1+s2], $0x40, $0x38;
	[tilespmem:$0x10400] =	vst v63  }
0x11c: {  	s11 =	sadd.s32 s4, s11;
	s14 =	sshrl.u32 s6, $0x3;
	s0 =	smul.u32 $0x68, s12  }
0x11d: {  	[tilespmem:s25], [sflag:$0x2] =	stream.linear.gather [hbm4b:s11+s2], $0x40, $0x38;
	[tilespmem:$0x10400] =	vst v63  }
0x11e: {  	s15 =	spop (v2sf);
	s1 =	sadd.s32 s4, s14;
	s0 =	sshrl.u32 s0, $0x3  }
0x11f: {  	[tilespmem:s24], [sflag:$0x2] =	stream.linear.gather [hbm4b:s1+s2], $0x40, $0x38;
	[tilespmem:$0x10400] =	vst v63  }
0x120: {  	s0 =	sadd.s32 s4, s0;
	s1 =	smul.u32 $0x68, s15  }
0x121: {  	[tilespmem:s23], [sflag:$0x2] =	stream.linear.gather [hbm4b:s0+s2], $0x40, $0x38;
	[tilespmem:$0x10400] =	vst v63  }
0x122: {  	s17 =	spop (v2sf);
	s16 =	sshrl.u32 s1, $0x3  }
0x123: {  	s1 =	smul.u32 $0x68, s17;
	s0 =	sadd.s32 s4, s16  }
0x124: {  	[tilespmem:s22], [sflag:$0x2] =	stream.linear.gather [hbm4b:s0+s2], $0x40, $0x38;
	[tilespmem:$0x10400] =	vst v63  }
0x125: {  	s19 =	spop (v2sf);
	s1 =	sshrl.u32 s1, $0x3  }
0x126: {  	s20 =	sadd.s32 $0x8780, s21;
	s0 =	smul.u32 $0x68, s19;
	s1 =	sadd.s32 s4, s1  }
0x127: {  	[tilespmem:s20], [sflag:$0x2] =	stream.linear.gather [hbm4b:s1+s2], $0x40, $0x38;
	[tilespmem:$0x10400] =	vst v63  }
0x128: {  	s0 =	sshrl.u32 s0, $0x3  }
0x129: {  	s23 =	simm.s32 $0x1;
	s22 =	sadd.s32 $0x87C0, s21;
	s0 =	sadd.s32 s4, s0  }
0x12a: {  	[tilespmem:s22], [sflag:$0x2] =	stream.linear.gather [hbm4b:s0+s2], $0x40, $0x38;
	[tilespmem:$0x10400] =	vst v63  }
0x12b: {  	_ =	swait.ge [sflag:s23], $0x8000  }
0x12c: {  	[sflag:s23] =	ssyncset.done $0x0  }
0x12d: {  	[sflag:s23] =	ssyncadd.s32 $0xFFFF8000  }
0x12e: {  	_ =	swait.ge [sflag:s13], $0x8000  }
0x12f: {  	s26 =	simm.s32 $0x80;
	s28 =	simm.s32 $0x400;
	[sflag:s13] =	ssyncset.done $0x0  }
0x130: {  	s25 =	simm.s32 $0x40;
	s24 =	rddreg [dreg:$0x5];
	[sflag:s13] =	ssyncadd.s32 $0xFFFF8000  }
0x131: {  	[hbm4b:s24+s25] =	stream.strided.scatter [tilespmem:s28], [sflag:$0x3], $0x8000, s26, s25, $0x38;
	[tilespmem:$0x10400] =	vst v63  }
0x132: {  	_ =	swait.ge [sflag:s10], $0x8000  }
0x133: {  	[sflag:s10] =	ssyncset.done $0x0  }
0x134: {  	s30 =	simm.s32 $0x8400;
	s29 =	rddreg [dreg:$0x7];
	[sflag:s10] =	ssyncadd.s32 $0xFFFF8000  }
0x135: {  	[hbm4b:s29+s25] =	stream.strided.scatter [tilespmem:s30], [sflag:$0x3], $0x8000, s26, s25, $0x38;
	[tilespmem:$0x10400] =	vst v63  }
0x136: {  	_ =	swait.ge [sflag:s10], $0x8000  }
0x137: {  	s18 =	sadd.s32 $0x1, s18;
	s31 =	rddreg [dreg:$0x8]  }
0x138: {  	p0 =	sne.s32 s18, s31  }
.Ltmp2:
0x139: {  	_ = 	snop;
	(pc) =	sbr.rel @p0 .LBB2_1-.Ltmp2, $3  }
0x13a: {  	_ =	sdelay $0x1  }
0x13b: {  	[sflag:s10] =	ssyncset.done $0x0  }
0x13c: {  	[sflag:s10] =	ssyncadd.s32 $0xFFFF8000  }
0x13d: {  	_ =	sfence.sel $0x180000  }
0x13e: {  	[bflag:$0x0] =	sbarrier.arrive $0xFFFF  }
0x13f: {  	_ =	strace $0x90000047  }
0x140: {  	s0 =	stileid.u32;
	[bflag:$0x2] =	sbarrier.arrive $0xFFFF  }
0x141: {  	p0 =	sne.s32 s0, $0x0;
	s0 =	rddreg [dreg:$0x3]  }
0x142: {  	s0 =	sadd.s32 @!p0 $0x100000, s0  }
0x143: {  	[sflag:s0] =	ssyncadd.tile.s32 @!p0 $0x1;
	_ =	shalt  }
.Lfunc_end2:
_tile_overlayer_lowered:
.L_overlay_start_2:
0x144: {  	(tag) =	ssettag $0x2  }
0x145: {  	s0 =	rddreg [dreg:$0x0];
	s2 =	stileid.u32  }
0x146: {  	s1 =	rddreg [dreg:$0x1];
	p0 =	sne.s32 s2, $0x0  }
0x147: {  	s3 =	rddreg [dreg:$0x2];
	[bflag:$0x3] =	sbarrier.arrive $0xFFFF;
	s2 =	simm.s32 @!p0 $0x1C03  }
0x148: {  	[timem:s3], [sflag:s2] =	dma.local @!p0 [hbm:s0], s1  }
0x149: {  	s0 =	simm.s32 @!p0 $0x3  }
0x14a: {  	_ =	swait.ge @!p0 [sflag:s0], s1  }
0x14b: {  	s1 =	ssub.s32 @!p0 $0x0, s1;
	[sflag:s0] =	ssyncset.done @!p0 $0x0  }
0x14c: {  	[sflag:s0] =	ssyncadd.s32 @!p0 s1  }
0x14d: {  	[bflag:$0x3] =	sbarrier.arrive $0xFFFF  }
0x14e: {  	_ =	shalt  }

</sc_bundles>
